<compile_context>
chip_gen: v7x
topology: tpu7x:2x2x1
jax: 0.10.2.dev20260603
libtpu: 0.0.44.dev20260713+nightly
codegen_flags: <defaults>
</compile_context>

<pallas_src>
import functools

import jax
import jax.numpy as jnp
from jax import lax
from jax.experimental import pallas as pl
from jax.experimental.pallas import tpu as pltpu
from jax.experimental.pallas import tpu_sc as plsc

BN = 512
LANE = 128
IDX_BITS = 0x7FF
IMAX = 2147483647

try:
    _SC_INFO = plsc.get_sparse_core_info()
    _NC = _SC_INFO.num_cores
    _NS = _SC_INFO.num_subcores
except Exception:
    _NC, _NS = 2, 16
NW = _NC * _NS
CH = 64


def _top3_body(xyz1_ref, xyz2_ref, w_ref, kb_ref, s1_ref, s2_ref, s3_ref):
    x = xyz1_ref[0]
    y = xyz2_ref[0]
    n2 = y.shape[0]
    nchunk = n2 // LANE
    cbits = nchunk - 1
    rnd = cbits // 2 + 1

    xx = jnp.sum(x * x, axis=1)
    yy = jnp.sum(y * y, axis=1)
    xy = lax.dot_general(x, y, (((1,), (1,)), ((), ())),
                         preferred_element_type=jnp.float32)
    dists = xx[:, None] + yy[None, :] - 2.0 * xy

    db = lax.bitcast_convert_type(dists, jnp.int32)
    dbm = jnp.where(db < 0, db ^ 0x7FFFFFFF, db)
    kb_ref[...] = (dbm + rnd) & ~cbits

    s1_ref[...] = kb_ref[:, 0:LANE]
    s2_ref[...] = jnp.full((x.shape[0], LANE), IMAX, jnp.int32)
    s3_ref[...] = jnp.full((x.shape[0], LANE), IMAX, jnp.int32)

    def cbody(c, carry):
        kc = kb_ref[:, pl.ds(c * LANE, LANE)] | c
        s1 = s1_ref[...]
        s2 = s2_ref[...]
        s3 = s3_ref[...]
        t = jnp.maximum(s1, kc)
        s1_ref[...] = jnp.minimum(s1, kc)
        t2 = jnp.maximum(s2, t)
        s2_ref[...] = jnp.minimum(s2, t)
        s3_ref[...] = jnp.minimum(s3, t2)
        return carry

    lax.fori_loop(1, nchunk, cbody, 0)

    s = jnp.concatenate([s1_ref[...], s2_ref[...], s3_ref[...]], axis=1)
    pio = lax.broadcasted_iota(jnp.int32, s.shape, 1) & (LANE - 1)
    ks, ps = [], []
    for _ in range(3):
        kk = jnp.min(s, axis=1)
        m = s == kk[:, None]
        ps.append(jnp.min(jnp.where(m, pio, LANE), axis=1))
        s = jnp.where(m, IMAX, s)
        ks.append(kk)

    recips = []
    gidx = []
    for kk, pp in zip(ks, ps):
        v = kk & ~cbits
        dk = lax.bitcast_convert_type(
            jnp.where(v < 0, v ^ 0x7FFFFFFF, v), jnp.float32)
        recips.append(1.0 / (dk + 1e-8))
        gidx.append((kk & cbits) * LANE + pp)
    norm = recips[0] + recips[1] + recips[2]

    lane = lax.broadcasted_iota(jnp.int32, (x.shape[0], LANE), 1)
    lk = lane >> 4
    ws = [(r / norm)[:, None] for r in recips]
    wpart = jnp.where(
        lk == 0, ws[0], jnp.where(lk == 1, ws[1],
                                  jnp.where(lk == 2, ws[2], 0.0)))
    gf = [g.astype(jnp.float32)[:, None] for g in gidx]
    out = jnp.where(lane == 64, gf[0],
                    jnp.where(lane == 65, gf[1],
                              jnp.where(lane == 66, gf[2], wpart)))
    w_ref[0] = out


def _sc_interp(f2_flat, idx_flat, w_flat, n_queries, cin):
    nq = n_queries
    qpw = nq // NW
    n_chunks = qpw // CH
    mesh = plsc.VectorSubcoreMesh(core_axis_name="c", subcore_axis_name="s")

    @functools.partial(
        pl.kernel, mesh=mesh,
        out_type=jax.ShapeDtypeStruct((nq, cin), jnp.float32),
        scratch_types=[
            pltpu.VMEM((CH,), jnp.int32),
            pltpu.VMEM((CH,), jnp.int32),
            pltpu.VMEM((CH,), jnp.int32),
            pltpu.VMEM((CH * 16,), jnp.float32),
            pltpu.VMEM((CH * 16,), jnp.float32),
            pltpu.VMEM((CH * 16,), jnp.float32),
            pltpu.VMEM((CH, cin), jnp.float32),
            pltpu.VMEM((CH, cin), jnp.float32),
            pltpu.VMEM((CH, cin), jnp.float32),
            pltpu.VMEM((CH, cin), jnp.float32),
            pltpu.SemaphoreType.DMA,
        ],
    )
    def body(f2_hbm, idx_hbm, w_hbm, out_hbm, i0, i1, i2, w0, w1, w2,
             r0, r1, r2, out_v, sem):
        wid = lax.axis_index("s") * _NC + lax.axis_index("c")
        idxs = (i0, i1, i2)
        wrefs = (w0, w1, w2)
        rows = (r0, r1, r2)

        def chunk(ci, carry):
            qb = wid * qpw + ci * CH
            for k in range(3):
                pltpu.sync_copy(idx_hbm.at[pl.ds(k * nq + qb, CH)], idxs[k])
                pltpu.sync_copy(w_hbm.at[pl.ds((k * nq + qb) * 16, CH * 16)],
                                wrefs[k])
            cps = [pltpu.async_copy(f2_hbm.at[idxs[k]], rows[k], sem)
                   for k in range(3)]
            for cp in cps:
                cp.wait()

            def q_body(q, c2):
                wsl = pl.ds(q * 16, 16)
                ws = [w0[wsl], w1[wsl], w2[wsl]]
                for c in range(cin // 16):
                    sl = pl.ds(c * 16, 16)
                    out_v[q, sl] = (ws[0] * r0[q, sl] + ws[1] * r1[q, sl]
                                    + ws[2] * r2[q, sl])
                return c2

            lax.fori_loop(0, CH, q_body, 0)
            pltpu.sync_copy(out_v, out_hbm.at[pl.ds(qb, CH)])
            return carry

        lax.fori_loop(0, n_chunks, chunk, 0)

    return body(f2_flat, idx_flat, w_flat)


def _mlp_body(f1_ref, interp_ref, w1a_ref, w1b_ref, b1_ref, gamma_ref,
              beta_ref, w2_ref, b2_ref, out_ref):
    h = (lax.dot_general(f1_ref[0], w1a_ref[...], (((1,), (0,)), ((), ())),
                         preferred_element_type=jnp.float32)
         + lax.dot_general(interp_ref[0], w1b_ref[...],
                           (((1,), (0,)), ((), ())),
                           preferred_element_type=jnp.float32)
         + b1_ref[...])
    mu = jnp.mean(h, axis=1, keepdims=True)
    xc = h - mu
    var = jnp.mean(xc * xc, axis=1, keepdims=True)
    h = xc * lax.rsqrt(var + 1e-5) * gamma_ref[...] + beta_ref[...]
    h = jnp.maximum(h, 0.0)
    out_ref[0] = (lax.dot_general(h, w2_ref[...], (((1,), (0,)), ((), ())),
                                  preferred_element_type=jnp.float32)
                  + b2_ref[...])


@jax.jit
def kernel(xyz1, xyz2, features1, features2, W1, b1, gamma, beta, W2, b2):
    B, N1, _ = xyz1.shape
    _, N2, _ = xyz2.shape
    Cskip = features1.shape[-1]
    Cin = features2.shape[-1]
    Cout = W2.shape[-1]
    nq = B * N1
    nblk = N1 // BN

    w_all = pl.pallas_call(
        _top3_body,
        grid=(B, nblk),
        in_specs=[
            pl.BlockSpec((1, BN, 3), lambda b, i: (b, i, 0)),
            pl.BlockSpec((1, N2, 3), lambda b, i: (b, 0, 0)),
        ],
        out_specs=pl.BlockSpec((1, BN, 128), lambda b, i: (b, i, 0)),
        out_shape=jax.ShapeDtypeStruct((B, N1, 128), jnp.float32),
        scratch_shapes=[
            pltpu.VMEM((BN, N2), jnp.int32),
            pltpu.VMEM((BN, 128), jnp.int32),
            pltpu.VMEM((BN, 128), jnp.int32),
            pltpu.VMEM((BN, 128), jnp.int32),
        ],
    )(xyz1, xyz2)
    w_all = w_all.reshape(nq, 128)
    boffs = (jnp.arange(nq, dtype=jnp.int32) // N1 * N2)[:, None]
    idx_all = w_all[:, 64:67].astype(jnp.int32) + boffs

    f2_flat = features2.reshape(B * N2, Cin)
    idx_flat = idx_all.T.reshape(-1)
    w_flat = (w_all[:, :48].reshape(nq, 3, 16).transpose(1, 0, 2).reshape(-1))
    interp = _sc_interp(f2_flat, idx_flat, w_flat,
                        nq, Cin).reshape(B, N1, Cin)
    W1a = W1[:Cskip]
    W1b = W1[Cskip:]
    const = lambda shape: pl.BlockSpec(shape, lambda b, i: (0,) * len(shape))
    out = pl.pallas_call(
        _mlp_body,
        grid=(B, nblk),
        in_specs=[
            pl.BlockSpec((1, BN, Cskip), lambda b, i: (b, i, 0)),
            pl.BlockSpec((1, BN, Cin), lambda b, i: (b, i, 0)),
            const((Cskip, Cout)),
            const((Cin, Cout)),
            const((1, Cout)),
            const((1, Cout)),
            const((1, Cout)),
            const((Cout, Cout)),
            const((1, Cout)),
        ],
        out_specs=pl.BlockSpec((1, BN, Cout), lambda b, i: (b, i, 0)),
        out_shape=jax.ShapeDtypeStruct((B, N1, Cout), jnp.float32),
    )(features1, interp, W1a, W1b, b1.reshape(1, -1), gamma.reshape(1, -1),
      beta.reshape(1, -1), W2, b2.reshape(1, -1))
    return out

# --- scband reference (transcript-rebuilt; emitter-appended) ---
"""Pipeline reference for scband-transition-up-68281390072569 (READ-ONLY COPY).

The authoritative reference and input builder live on the scoring server;
editing this copy changes nothing except your own understanding.
"""

import jax, jax.numpy as jnp
import numpy as np


def square_distance(src, dst):
    dist = -2.0 * jnp.matmul(src, jnp.transpose(dst, (0, 2, 1)))
    dist = dist + jnp.sum(src ** 2, axis=-1)[..., None]
    dist = dist + jnp.sum(dst ** 2, axis=-1)[:, None, :]
    return dist


def setup_inputs(seed: int = 0) -> dict:
    key = jax.random.key(seed)
    ks = jax.random.split(key, 8)
    B, N1, N2 = 4, 8192, 2048
    Cin, Cskip, Cout = 256, 128, 256
    xyz1 = jax.random.normal(ks[0], (B, N1, 3), dtype=jnp.float32)
    xyz2 = jax.random.normal(ks[1], (B, N2, 3), dtype=jnp.float32)
    features1 = jax.random.normal(ks[2], (B, N1, Cskip), dtype=jnp.float32)
    features2 = jax.random.normal(ks[3], (B, N2, Cin), dtype=jnp.float32)
    W1 = jax.random.normal(ks[4], (Cin + Cskip, Cout), dtype=jnp.float32) * 0.02
    b1 = jnp.zeros((Cout,), dtype=jnp.float32)
    gamma = jnp.ones((Cout,), dtype=jnp.float32)
    beta = jnp.zeros((Cout,), dtype=jnp.float32)
    W2 = jax.random.normal(ks[5], (Cout, Cout), dtype=jnp.float32) * 0.02
    b2 = jnp.zeros((Cout,), dtype=jnp.float32)
    return {"xyz1": xyz1, "xyz2": xyz2, "features1": features1, "features2": features2,
            "W1": W1, "b1": b1, "gamma": gamma, "beta": beta, "W2": W2, "b2": b2}


def reference(xyz1, xyz2, features1, features2, W1, b1, gamma, beta, W2, b2):
    B, N1, _ = xyz1.shape
    _, N2, _ = xyz2.shape
    # 3-NN interpolation (N2 > 1 path)
    dists = square_distance(xyz1, xyz2)  # [B, N1, N2]
    idx = jnp.argsort(dists, axis=-1)[:, :, :3]  # [B, N1, 3]
    d3 = jnp.take_along_axis(dists, idx, axis=-1)  # [B, N1, 3]
    dist_recip = 1.0 / (d3 + 1e-08)
    norm = jnp.sum(dist_recip, axis=2, keepdims=True)
    weight = dist_recip / norm
    batch_idx = jnp.arange(B)[:, None, None]
    gathered = features2[batch_idx, idx]  # [B, N1, 3, Cin]
    interpolated = jnp.sum(gathered * weight[..., None], axis=2)  # [B, N1, Cin]
    new_features = jnp.concatenate([features1, interpolated], axis=-1)
    # MLP: Linear -> LayerNorm -> ReLU -> Linear
    h = jnp.matmul(new_features, W1) + b1
    mean = jnp.mean(h, axis=-1, keepdims=True)
    var = jnp.var(h, axis=-1, keepdims=True)
    h = (h - mean) / jnp.sqrt(var + 1e-05) * gamma + beta
    h = jnp.maximum(h, 0.0)
    out = jnp.matmul(h, W2) + b2
    return out

if __name__ == "__main__":
    import jax
    _d = setup_inputs()
    print(jax.jit(kernel)(*tuple(_d.values())))

</pallas_src>

<mosaic_0001>
#map = affine_map<(d0, d1) -> (0, 0)>
#map1 = affine_map<(d0, d1) -> (0)>
module attributes {stable_mosaic.version = 14 : i64} {
  func.func @body(%arg0: i32, %arg1: i32, %arg2: memref<8192x256xf32, #tpu.memory_space<hbm>>, %arg3: memref<98304xi32, #tpu.memory_space<hbm>>, %arg4: memref<1572864xf32, #tpu.memory_space<hbm>>, %arg5: memref<32768x256xf32, #tpu.memory_space<hbm>>, %arg6: memref<64xi32, #tpu.memory_space<vmem>>, %arg7: memref<64xi32, #tpu.memory_space<vmem>>, %arg8: memref<64xi32, #tpu.memory_space<vmem>>, %arg9: memref<1024xf32, #tpu.memory_space<vmem>>, %arg10: memref<1024xf32, #tpu.memory_space<vmem>>, %arg11: memref<1024xf32, #tpu.memory_space<vmem>>, %arg12: memref<64x256xf32, #tpu.memory_space<vmem>>, %arg13: memref<64x256xf32, #tpu.memory_space<vmem>>, %arg14: memref<64x256xf32, #tpu.memory_space<vmem>>, %arg15: memref<64x256xf32, #tpu.memory_space<vmem>>, %arg16: memref<!tpu.dma_semaphore, #tpu.memory_space<semaphore_mem>>) attributes {dimension_semantics = [#tpu.dimension_semantics<core_parallel>, #tpu.dimension_semantics<subcore_parallel>], iteration_bounds = array<i64: 2, 16>, scalar_prefetch = 0 : i64, scratch_operands = 11 : i64, tpu.core_type = #tpu.core_type<sc_vector_subcore>, window_params = [{transform_indices = #map}, {transform_indices = #map1}, {transform_indices = #map1}, {transform_indices = #map}]} {
    %mul3A = arith.constant 2 : i32
    %mul3A_0 = arith.muli %arg1, %mul3A : i32
    %add3A = arith.addi %mul3A_0, %arg0 : i32
    %scan3A = arith.constant 0 : i32
    %scan3A_1 = arith.constant 0 : i32
    %scan3A_2 = arith.constant 16 : i32
    %scan3A_3 = arith.addi %scan3A_1, %scan3A_2 : i32
    %scan3A_4 = arith.constant 1 : i32
    scf.for %scan3A_6 = %scan3A_1 to %scan3A_3 step %scan3A_4  : i32 {
      %mul3A_7 = arith.constant 1024 : i32
      %mul3A_8 = arith.muli %add3A, %mul3A_7 : i32
      %mul3A_9 = arith.constant 64 : i32
      %mul3A_10 = arith.muli %scan3A_6, %mul3A_9 : i32
      %add3A_11 = arith.addi %mul3A_8, %mul3A_10 : i32
      %add3A_12 = arith.constant 0 : i32
      %add3A_13 = arith.addi %add3A_12, %add3A_11 : i32
      "tpu.region"() ({
        %run_scoped3A = tpu.sem_alloc : memref<!tpu.dma_semaphore, #tpu.memory_space<semaphore_mem>>
        %dma_start3A_52 = tpu.memref_slice %arg3[%add3A_13] : memref<98304xi32, #tpu.memory_space<hbm>> -> memref<64xi32, #tpu.memory_space<hbm>>
        %dma_start3A_53 = tpu.memref_slice %arg3[%add3A_13] : memref<98304xi32, #tpu.memory_space<hbm>> -> memref<64xi32, #tpu.memory_space<hbm>>
        tpu.enqueue_dma source(%dma_start3A_53 : memref<64xi32, #tpu.memory_space<hbm>>) target(%arg6 : memref<64xi32, #tpu.memory_space<vmem>>) target_semaphore(%run_scoped3A : memref<!tpu.dma_semaphore, #tpu.memory_space<semaphore_mem>>)
        %dma_wait3A_54 = tpu.memref_slice %arg3[%add3A_13] : memref<98304xi32, #tpu.memory_space<hbm>> -> memref<64xi32, #tpu.memory_space<hbm>>
        %dma_wait3A_55 = tpu.memref_slice %arg3[%add3A_13] : memref<98304xi32, #tpu.memory_space<hbm>> -> memref<64xi32, #tpu.memory_space<hbm>>
        tpu.wait_dma2 semaphore(%run_scoped3A : memref<!tpu.dma_semaphore, #tpu.memory_space<semaphore_mem>>) src(%dma_wait3A_55 : memref<64xi32, #tpu.memory_space<hbm>>) dst(%arg6 : memref<64xi32, #tpu.memory_space<vmem>>)
        tpu.yield
      }) : () -> ()
      %add3A_14 = arith.constant 0 : i32
      %add3A_15 = arith.addi %add3A_14, %add3A_11 : i32
      %mul3A_16 = arith.constant 16 : i32
      %mul3A_17 = arith.muli %add3A_15, %mul3A_16 : i32
      "tpu.region"() ({
        %run_scoped3A = tpu.sem_alloc : memref<!tpu.dma_semaphore, #tpu.memory_space<semaphore_mem>>
        %dma_start3A_52 = tpu.memref_slice %arg4[%mul3A_17] : memref<1572864xf32, #tpu.memory_space<hbm>> -> memref<1024xf32, #tpu.memory_space<hbm>>
        %dma_start3A_53 = tpu.memref_slice %arg4[%mul3A_17] : memref<1572864xf32, #tpu.memory_space<hbm>> -> memref<1024xf32, #tpu.memory_space<hbm>>
        tpu.enqueue_dma source(%dma_start3A_53 : memref<1024xf32, #tpu.memory_space<hbm>>) target(%arg9 : memref<1024xf32, #tpu.memory_space<vmem>>) target_semaphore(%run_scoped3A : memref<!tpu.dma_semaphore, #tpu.memory_space<semaphore_mem>>)
        %dma_wait3A_54 = tpu.memref_slice %arg4[%mul3A_17] : memref<1572864xf32, #tpu.memory_space<hbm>> -> memref<1024xf32, #tpu.memory_space<hbm>>
        %dma_wait3A_55 = tpu.memref_slice %arg4[%mul3A_17] : memref<1572864xf32, #tpu.memory_space<hbm>> -> memref<1024xf32, #tpu.memory_space<hbm>>
        tpu.wait_dma2 semaphore(%run_scoped3A : memref<!tpu.dma_semaphore, #tpu.memory_space<semaphore_mem>>) src(%dma_wait3A_55 : memref<1024xf32, #tpu.memory_space<hbm>>) dst(%arg9 : memref<1024xf32, #tpu.memory_space<vmem>>)
        tpu.yield
      }) : () -> ()
      %add3A_18 = arith.constant 32768 : i32
      %add3A_19 = arith.addi %add3A_18, %add3A_11 : i32
      "tpu.region"() ({
        %run_scoped3A = tpu.sem_alloc : memref<!tpu.dma_semaphore, #tpu.memory_space<semaphore_mem>>
        %dma_start3A_52 = tpu.memref_slice %arg3[%add3A_19] : memref<98304xi32, #tpu.memory_space<hbm>> -> memref<64xi32, #tpu.memory_space<hbm>>
        %dma_start3A_53 = tpu.memref_slice %arg3[%add3A_19] : memref<98304xi32, #tpu.memory_space<hbm>> -> memref<64xi32, #tpu.memory_space<hbm>>
        tpu.enqueue_dma source(%dma_start3A_53 : memref<64xi32, #tpu.memory_space<hbm>>) target(%arg7 : memref<64xi32, #tpu.memory_space<vmem>>) target_semaphore(%run_scoped3A : memref<!tpu.dma_semaphore, #tpu.memory_space<semaphore_mem>>)
        %dma_wait3A_54 = tpu.memref_slice %arg3[%add3A_19] : memref<98304xi32, #tpu.memory_space<hbm>> -> memref<64xi32, #tpu.memory_space<hbm>>
        %dma_wait3A_55 = tpu.memref_slice %arg3[%add3A_19] : memref<98304xi32, #tpu.memory_space<hbm>> -> memref<64xi32, #tpu.memory_space<hbm>>
        tpu.wait_dma2 semaphore(%run_scoped3A : memref<!tpu.dma_semaphore, #tpu.memory_space<semaphore_mem>>) src(%dma_wait3A_55 : memref<64xi32, #tpu.memory_space<hbm>>) dst(%arg7 : memref<64xi32, #tpu.memory_space<vmem>>)
        tpu.yield
      }) : () -> ()
      %add3A_20 = arith.constant 32768 : i32
      %add3A_21 = arith.addi %add3A_20, %add3A_11 : i32
      %mul3A_22 = arith.constant 16 : i32
      %mul3A_23 = arith.muli %add3A_21, %mul3A_22 : i32
      "tpu.region"() ({
        %run_scoped3A = tpu.sem_alloc : memref<!tpu.dma_semaphore, #tpu.memory_space<semaphore_mem>>
        %dma_start3A_52 = tpu.memref_slice %arg4[%mul3A_23] : memref<1572864xf32, #tpu.memory_space<hbm>> -> memref<1024xf32, #tpu.memory_space<hbm>>
        %dma_start3A_53 = tpu.memref_slice %arg4[%mul3A_23] : memref<1572864xf32, #tpu.memory_space<hbm>> -> memref<1024xf32, #tpu.memory_space<hbm>>
        tpu.enqueue_dma source(%dma_start3A_53 : memref<1024xf32, #tpu.memory_space<hbm>>) target(%arg10 : memref<1024xf32, #tpu.memory_space<vmem>>) target_semaphore(%run_scoped3A : memref<!tpu.dma_semaphore, #tpu.memory_space<semaphore_mem>>)
        %dma_wait3A_54 = tpu.memref_slice %arg4[%mul3A_23] : memref<1572864xf32, #tpu.memory_space<hbm>> -> memref<1024xf32, #tpu.memory_space<hbm>>
        %dma_wait3A_55 = tpu.memref_slice %arg4[%mul3A_23] : memref<1572864xf32, #tpu.memory_space<hbm>> -> memref<1024xf32, #tpu.memory_space<hbm>>
        tpu.wait_dma2 semaphore(%run_scoped3A : memref<!tpu.dma_semaphore, #tpu.memory_space<semaphore_mem>>) src(%dma_wait3A_55 : memref<1024xf32, #tpu.memory_space<hbm>>) dst(%arg10 : memref<1024xf32, #tpu.memory_space<vmem>>)
        tpu.yield
      }) : () -> ()
      %add3A_24 = arith.constant 65536 : i32
      %add3A_25 = arith.addi %add3A_24, %add3A_11 : i32
      "tpu.region"() ({
        %run_scoped3A = tpu.sem_alloc : memref<!tpu.dma_semaphore, #tpu.memory_space<semaphore_mem>>
        %dma_start3A_52 = tpu.memref_slice %arg3[%add3A_25] : memref<98304xi32, #tpu.memory_space<hbm>> -> memref<64xi32, #tpu.memory_space<hbm>>
        %dma_start3A_53 = tpu.memref_slice %arg3[%add3A_25] : memref<98304xi32, #tpu.memory_space<hbm>> -> memref<64xi32, #tpu.memory_space<hbm>>
        tpu.enqueue_dma source(%dma_start3A_53 : memref<64xi32, #tpu.memory_space<hbm>>) target(%arg8 : memref<64xi32, #tpu.memory_space<vmem>>) target_semaphore(%run_scoped3A : memref<!tpu.dma_semaphore, #tpu.memory_space<semaphore_mem>>)
        %dma_wait3A_54 = tpu.memref_slice %arg3[%add3A_25] : memref<98304xi32, #tpu.memory_space<hbm>> -> memref<64xi32, #tpu.memory_space<hbm>>
        %dma_wait3A_55 = tpu.memref_slice %arg3[%add3A_25] : memref<98304xi32, #tpu.memory_space<hbm>> -> memref<64xi32, #tpu.memory_space<hbm>>
        tpu.wait_dma2 semaphore(%run_scoped3A : memref<!tpu.dma_semaphore, #tpu.memory_space<semaphore_mem>>) src(%dma_wait3A_55 : memref<64xi32, #tpu.memory_space<hbm>>) dst(%arg8 : memref<64xi32, #tpu.memory_space<vmem>>)
        tpu.yield
      }) : () -> ()
      %add3A_26 = arith.constant 65536 : i32
      %add3A_27 = arith.addi %add3A_26, %add3A_11 : i32
      %mul3A_28 = arith.constant 16 : i32
      %mul3A_29 = arith.muli %add3A_27, %mul3A_28 : i32
      "tpu.region"() ({
        %run_scoped3A = tpu.sem_alloc : memref<!tpu.dma_semaphore, #tpu.memory_space<semaphore_mem>>
        %dma_start3A_52 = tpu.memref_slice %arg4[%mul3A_29] : memref<1572864xf32, #tpu.memory_space<hbm>> -> memref<1024xf32, #tpu.memory_space<hbm>>
        %dma_start3A_53 = tpu.memref_slice %arg4[%mul3A_29] : memref<1572864xf32, #tpu.memory_space<hbm>> -> memref<1024xf32, #tpu.memory_space<hbm>>
        tpu.enqueue_dma source(%dma_start3A_53 : memref<1024xf32, #tpu.memory_space<hbm>>) target(%arg11 : memref<1024xf32, #tpu.memory_space<vmem>>) target_semaphore(%run_scoped3A : memref<!tpu.dma_semaphore, #tpu.memory_space<semaphore_mem>>)
        %dma_wait3A_54 = tpu.memref_slice %arg4[%mul3A_29] : memref<1572864xf32, #tpu.memory_space<hbm>> -> memref<1024xf32, #tpu.memory_space<hbm>>
        %dma_wait3A_55 = tpu.memref_slice %arg4[%mul3A_29] : memref<1572864xf32, #tpu.memory_space<hbm>> -> memref<1024xf32, #tpu.memory_space<hbm>>
        tpu.wait_dma2 semaphore(%run_scoped3A : memref<!tpu.dma_semaphore, #tpu.memory_space<semaphore_mem>>) src(%dma_wait3A_55 : memref<1024xf32, #tpu.memory_space<hbm>>) dst(%arg11 : memref<1024xf32, #tpu.memory_space<vmem>>)
        tpu.yield
      }) : () -> ()
      %dma_start3A = arith.constant 0 : i32
      %dma_start3A_30 = arith.constant 0 : i32
      %dma_start3A_31 = tpu.memref_slice %arg2[%dma_start3A, %dma_start3A_30] : memref<8192x256xf32, #tpu.memory_space<hbm>> -> memref<8192x256xf32, #tpu.memory_space<hbm>>
      tpu.enqueue_indirect_dma source(%dma_start3A_31 : memref<8192x256xf32, #tpu.memory_space<hbm>>) target(%arg12 : memref<64x256xf32, #tpu.memory_space<vmem>>) offsets(%arg6 : memref<64xi32, #tpu.memory_space<vmem>>) semaphore(%arg16 : memref<!tpu.dma_semaphore, #tpu.memory_space<semaphore_mem>>)
      %dma_start3A_32 = arith.constant 0 : i32
      %dma_start3A_33 = arith.constant 0 : i32
      %dma_start3A_34 = tpu.memref_slice %arg2[%dma_start3A_32, %dma_start3A_33] : memref<8192x256xf32, #tpu.memory_space<hbm>> -> memref<8192x256xf32, #tpu.memory_space<hbm>>
      tpu.enqueue_indirect_dma source(%dma_start3A_34 : memref<8192x256xf32, #tpu.memory_space<hbm>>) target(%arg13 : memref<64x256xf32, #tpu.memory_space<vmem>>) offsets(%arg7 : memref<64xi32, #tpu.memory_space<vmem>>) semaphore(%arg16 : memref<!tpu.dma_semaphore, #tpu.memory_space<semaphore_mem>>)
      %dma_start3A_35 = arith.constant 0 : i32
      %dma_start3A_36 = arith.constant 0 : i32
      %dma_start3A_37 = tpu.memref_slice %arg2[%dma_start3A_35, %dma_start3A_36] : memref<8192x256xf32, #tpu.memory_space<hbm>> -> memref<8192x256xf32, #tpu.memory_space<hbm>>
      tpu.enqueue_indirect_dma source(%dma_start3A_37 : memref<8192x256xf32, #tpu.memory_space<hbm>>) target(%arg14 : memref<64x256xf32, #tpu.memory_space<vmem>>) offsets(%arg8 : memref<64xi32, #tpu.memory_space<vmem>>) semaphore(%arg16 : memref<!tpu.dma_semaphore, #tpu.memory_space<semaphore_mem>>)
      %dma_wait3A = arith.constant 0 : i32
      %dma_wait3A_38 = arith.constant 0 : i32
      %dma_wait3A_39 = tpu.memref_slice %arg2[%dma_wait3A, %dma_wait3A_38] : memref<8192x256xf32, #tpu.memory_space<hbm>> -> memref<8192x256xf32, #tpu.memory_space<hbm>>
      tpu.wait_indirect_dma semaphore(%arg16 : memref<!tpu.dma_semaphore, #tpu.memory_space<semaphore_mem>>) src(%dma_wait3A_39 : memref<8192x256xf32, #tpu.memory_space<hbm>>) dst(%arg12 : memref<64x256xf32, #tpu.memory_space<vmem>>)
      %dma_wait3A_40 = arith.constant 0 : i32
      %dma_wait3A_41 = arith.constant 0 : i32
      %dma_wait3A_42 = tpu.memref_slice %arg2[%dma_wait3A_40, %dma_wait3A_41] : memref<8192x256xf32, #tpu.memory_space<hbm>> -> memref<8192x256xf32, #tpu.memory_space<hbm>>
      tpu.wait_indirect_dma semaphore(%arg16 : memref<!tpu.dma_semaphore, #tpu.memory_space<semaphore_mem>>) src(%dma_wait3A_42 : memref<8192x256xf32, #tpu.memory_space<hbm>>) dst(%arg13 : memref<64x256xf32, #tpu.memory_space<vmem>>)
      %dma_wait3A_43 = arith.constant 0 : i32
      %dma_wait3A_44 = arith.constant 0 : i32
      %dma_wait3A_45 = tpu.memref_slice %arg2[%dma_wait3A_43, %dma_wait3A_44] : memref<8192x256xf32, #tpu.memory_space<hbm>> -> memref<8192x256xf32, #tpu.memory_space<hbm>>
      tpu.wait_indirect_dma semaphore(%arg16 : memref<!tpu.dma_semaphore, #tpu.memory_space<semaphore_mem>>) src(%dma_wait3A_45 : memref<8192x256xf32, #tpu.memory_space<hbm>>) dst(%arg14 : memref<64x256xf32, #tpu.memory_space<vmem>>)
      %scan3A_46 = arith.constant 0 : i32
      %scan3A_47 = arith.constant 0 : i32
      %scan3A_48 = arith.constant 64 : i32
      %scan3A_49 = arith.addi %scan3A_47, %scan3A_48 : i32
      %scan3A_50 = arith.constant 1 : i32
      scf.for %scan3A_52 = %scan3A_47 to %scan3A_49 step %scan3A_50  : i32 {
        %mul3A_53 = arith.constant 16 : i32
        %mul3A_54 = arith.muli %scan3A_52, %mul3A_53 : i32
        %get3A = arith.index_cast %mul3A_54 : i32 to index
        %get3A_55 = tpu.vector_load %arg9[%get3A] {strides = array<i32>} : memref<1024xf32, #tpu.memory_space<vmem>>, vector<16xf32>,
        %get3A_56 = vector.shape_cast %get3A_55 : vector<16xf32> to vector<16xf32>
        %get3A_57 = arith.index_cast %mul3A_54 : i32 to index
        %get3A_58 = tpu.vector_load %arg10[%get3A_57] {strides = array<i32>} : memref<1024xf32, #tpu.memory_space<vmem>>, vector<16xf32>,
        %get3A_59 = vector.shape_cast %get3A_58 : vector<16xf32> to vector<16xf32>
        %get3A_60 = arith.index_cast %mul3A_54 : i32 to index
        %get3A_61 = tpu.vector_load %arg11[%get3A_60] {strides = array<i32>} : memref<1024xf32, #tpu.memory_space<vmem>>, vector<16xf32>,
        %get3A_62 = vector.shape_cast %get3A_61 : vector<16xf32> to vector<16xf32>
        %get3A_63 = arith.index_cast %scan3A_52 : i32 to index
        %get3A_64 = arith.constant 0 : index
        %get3A_65 = tpu.vector_load %arg12[%get3A_63, %get3A_64] {strides = array<i32>} : memref<64x256xf32, #tpu.memory_space<vmem>>, vector<1x16xf32>,
        %get3A_66 = vector.shape_cast %get3A_65 : vector<1x16xf32> to vector<16xf32>
        %mul3A_67 = arith.mulf %get3A_56, %get3A_66 : vector<16xf32>
        %get3A_68 = arith.index_cast %scan3A_52 : i32 to index
        %get3A_69 = arith.constant 0 : index
        %get3A_70 = tpu.vector_load %arg13[%get3A_68, %get3A_69] {strides = array<i32>} : memref<64x256xf32, #tpu.memory_space<vmem>>, vector<1x16xf32>,
        %get3A_71 = vector.shape_cast %get3A_70 : vector<1x16xf32> to vector<16xf32>
        %mul3A_72 = arith.mulf %get3A_59, %get3A_71 : vector<16xf32>
        %add3A_73 = arith.addf %mul3A_67, %mul3A_72 : vector<16xf32>
        %get3A_74 = arith.index_cast %scan3A_52 : i32 to index
        %get3A_75 = arith.constant 0 : index
        %get3A_76 = tpu.vector_load %arg14[%get3A_74, %get3A_75] {strides = array<i32>} : memref<64x256xf32, #tpu.memory_space<vmem>>, vector<1x16xf32>,
        %get3A_77 = vector.shape_cast %get3A_76 : vector<1x16xf32> to vector<16xf32>
        %mul3A_78 = arith.mulf %get3A_62, %get3A_77 : vector<16xf32>
        %add3A_79 = arith.addf %add3A_73, %mul3A_78 : vector<16xf32>
        %swap3A = arith.index_cast %scan3A_52 : i32 to index
        %swap3A_80 = arith.constant 0 : index
        %swap3A_81 = tpu.vector_load %arg15[%swap3A, %swap3A_80] {strides = array<i32>} : memref<64x256xf32, #tpu.memory_space<vmem>>, vector<1x16xf32>,
        %swap3A_82 = vector.shape_cast %swap3A_81 : vector<1x16xf32> to vector<16xf32>
        %swap3A_83 = vector.shape_cast %add3A_79 : vector<16xf32> to vector<1x16xf32>
        tpu.vector_store %arg15[%swap3A, %swap3A_80], %swap3A_83 {strides = array<i32>} : memref<64x256xf32, #tpu.memory_space<vmem>>, vector<1x16xf32>,
        %get3A_84 = arith.index_cast %scan3A_52 : i32 to index
        %get3A_85 = arith.constant 16 : index
        %get3A_86 = tpu.vector_load %arg12[%get3A_84, %get3A_85] {strides = array<i32>} : memref<64x256xf32, #tpu.memory_space<vmem>>, vector<1x16xf32>,
        %get3A_87 = vector.shape_cast %get3A_86 : vector<1x16xf32> to vector<16xf32>
        %mul3A_88 = arith.mulf %get3A_56, %get3A_87 : vector<16xf32>
        %get3A_89 = arith.index_cast %scan3A_52 : i32 to index
        %get3A_90 = arith.constant 16 : index
        %get3A_91 = tpu.vector_load %arg13[%get3A_89, %get3A_90] {strides = array<i32>} : memref<64x256xf32, #tpu.memory_space<vmem>>, vector<1x16xf32>,
        %get3A_92 = vector.shape_cast %get3A_91 : vector<1x16xf32> to vector<16xf32>
        %mul3A_93 = arith.mulf %get3A_59, %get3A_92 : vector<16xf32>
        %add3A_94 = arith.addf %mul3A_88, %mul3A_93 : vector<16xf32>
        %get3A_95 = arith.index_cast %scan3A_52 : i32 to index
        %get3A_96 = arith.constant 16 : index
        %get3A_97 = tpu.vector_load %arg14[%get3A_95, %get3A_96] {strides = array<i32>} : memref<64x256xf32, #tpu.memory_space<vmem>>, vector<1x16xf32>,
        %get3A_98 = vector.shape_cast %get3A_97 : vector<1x16xf32> to vector<16xf32>
        %mul3A_99 = arith.mulf %get3A_62, %get3A_98 : vector<16xf32>
        %add3A_100 = arith.addf %add3A_94, %mul3A_99 : vector<16xf32>
        %swap3A_101 = arith.index_cast %scan3A_52 : i32 to index
        %swap3A_102 = arith.constant 16 : index
        %swap3A_103 = tpu.vector_load %arg15[%swap3A_101, %swap3A_102] {strides = array<i32>} : memref<64x256xf32, #tpu.memory_space<vmem>>, vector<1x16xf32>,
        %swap3A_104 = vector.shape_cast %swap3A_103 : vector<1x16xf32> to vector<16xf32>
        %swap3A_105 = vector.shape_cast %add3A_100 : vector<16xf32> to vector<1x16xf32>
        tpu.vector_store %arg15[%swap3A_101, %swap3A_102], %swap3A_105 {strides = array<i32>} : memref<64x256xf32, #tpu.memory_space<vmem>>, vector<1x16xf32>,
        %get3A_106 = arith.index_cast %scan3A_52 : i32 to index
        %get3A_107 = arith.constant 32 : index
        %get3A_108 = tpu.vector_load %arg12[%get3A_106, %get3A_107] {strides = array<i32>} : memref<64x256xf32, #tpu.memory_space<vmem>>, vector<1x16xf32>,
        %get3A_109 = vector.shape_cast %get3A_108 : vector<1x16xf32> to vector<16xf32>
        %mul3A_110 = arith.mulf %get3A_56, %get3A_109 : vector<16xf32>
        %get3A_111 = arith.index_cast %scan3A_52 : i32 to index
        %get3A_112 = arith.constant 32 : index
        %get3A_113 = tpu.vector_load %arg13[%get3A_111, %get3A_112] {strides = array<i32>} : memref<64x256xf32, #tpu.memory_space<vmem>>, vector<1x16xf32>,
        %get3A_114 = vector.shape_cast %get3A_113 : vector<1x16xf32> to vector<16xf32>
        %mul3A_115 = arith.mulf %get3A_59, %get3A_114 : vector<16xf32>
        %add3A_116 = arith.addf %mul3A_110, %mul3A_115 : vector<16xf32>
        %get3A_117 = arith.index_cast %scan3A_52 : i32 to index
        %get3A_118 = arith.constant 32 : index
        %get3A_119 = tpu.vector_load %arg14[%get3A_117, %get3A_118] {strides = array<i32>} : memref<64x256xf32, #tpu.memory_space<vmem>>, vector<1x16xf32>,
        %get3A_120 = vector.shape_cast %get3A_119 : vector<1x16xf32> to vector<16xf32>
        %mul3A_121 = arith.mulf %get3A_62, %get3A_120 : vector<16xf32>
        %add3A_122 = arith.addf %add3A_116, %mul3A_121 : vector<16xf32>
        %swap3A_123 = arith.index_cast %scan3A_52 : i32 to index
        %swap3A_124 = arith.constant 32 : index
        %swap3A_125 = tpu.vector_load %arg15[%swap3A_123, %swap3A_124] {strides = array<i32>} : memref<64x256xf32, #tpu.memory_space<vmem>>, vector<1x16xf32>,
        %swap3A_126 = vector.shape_cast %swap3A_125 : vector<1x16xf32> to vector<16xf32>
        %swap3A_127 = vector.shape_cast %add3A_122 : vector<16xf32> to vector<1x16xf32>
        tpu.vector_store %arg15[%swap3A_123, %swap3A_124], %swap3A_127 {strides = array<i32>} : memref<64x256xf32, #tpu.memory_space<vmem>>, vector<1x16xf32>,
        %get3A_128 = arith.index_cast %scan3A_52 : i32 to index
        %get3A_129 = arith.constant 48 : index
        %get3A_130 = tpu.vector_load %arg12[%get3A_128, %get3A_129] {strides = array<i32>} : memref<64x256xf32, #tpu.memory_space<vmem>>, vector<1x16xf32>,
        %get3A_131 = vector.shape_cast %get3A_130 : vector<1x16xf32> to vector<16xf32>
        %mul3A_132 = arith.mulf %get3A_56, %get3A_131 : vector<16xf32>
        %get3A_133 = arith.index_cast %scan3A_52 : i32 to index
        %get3A_134 = arith.constant 48 : index
        %get3A_135 = tpu.vector_load %arg13[%get3A_133, %get3A_134] {strides = array<i32>} : memref<64x256xf32, #tpu.memory_space<vmem>>, vector<1x16xf32>,
        %get3A_136 = vector.shape_cast %get3A_135 : vector<1x16xf32> to vector<16xf32>
        %mul3A_137 = arith.mulf %get3A_59, %get3A_136 : vector<16xf32>
        %add3A_138 = arith.addf %mul3A_132, %mul3A_137 : vector<16xf32>
        %get3A_139 = arith.index_cast %scan3A_52 : i32 to index
        %get3A_140 = arith.constant 48 : index
        %get3A_141 = tpu.vector_load %arg14[%get3A_139, %get3A_140] {strides = array<i32>} : memref<64x256xf32, #tpu.memory_space<vmem>>, vector<1x16xf32>,
        %get3A_142 = vector.shape_cast %get3A_141 : vector<1x16xf32> to vector<16xf32>
        %mul3A_143 = arith.mulf %get3A_62, %get3A_142 : vector<16xf32>
        %add3A_144 = arith.addf %add3A_138, %mul3A_143 : vector<16xf32>
        %swap3A_145 = arith.index_cast %scan3A_52 : i32 to index
        %swap3A_146 = arith.constant 48 : index
        %swap3A_147 = tpu.vector_load %arg15[%swap3A_145, %swap3A_146] {strides = array<i32>} : memref<64x256xf32, #tpu.memory_space<vmem>>, vector<1x16xf32>,
        %swap3A_148 = vector.shape_cast %swap3A_147 : vector<1x16xf32> to vector<16xf32>
        %swap3A_149 = vector.shape_cast %add3A_144 : vector<16xf32> to vector<1x16xf32>
        tpu.vector_store %arg15[%swap3A_145, %swap3A_146], %swap3A_149 {strides = array<i32>} : memref<64x256xf32, #tpu.memory_space<vmem>>, vector<1x16xf32>,
        %get3A_150 = arith.index_cast %scan3A_52 : i32 to index
        %get3A_151 = arith.constant 64 : index
        %get3A_152 = tpu.vector_load %arg12[%get3A_150, %get3A_151] {strides = array<i32>} : memref<64x256xf32, #tpu.memory_space<vmem>>, vector<1x16xf32>,
        %get3A_153 = vector.shape_cast %get3A_152 : vector<1x16xf32> to vector<16xf32>
        %mul3A_154 = arith.mulf %get3A_56, %get3A_153 : vector<16xf32>
        %get3A_155 = arith.index_cast %scan3A_52 : i32 to index
        %get3A_156 = arith.constant 64 : index
        %get3A_157 = tpu.vector_load %arg13[%get3A_155, %get3A_156] {strides = array<i32>} : memref<64x256xf32, #tpu.memory_space<vmem>>, vector<1x16xf32>,
        %get3A_158 = vector.shape_cast %get3A_157 : vector<1x16xf32> to vector<16xf32>
        %mul3A_159 = arith.mulf %get3A_59, %get3A_158 : vector<16xf32>
        %add3A_160 = arith.addf %mul3A_154, %mul3A_159 : vector<16xf32>
        %get3A_161 = arith.index_cast %scan3A_52 : i32 to index
        %get3A_162 = arith.constant 64 : index
        %get3A_163 = tpu.vector_load %arg14[%get3A_161, %get3A_162] {strides = array<i32>} : memref<64x256xf32, #tpu.memory_space<vmem>>, vector<1x16xf32>,
        %get3A_164 = vector.shape_cast %get3A_163 : vector<1x16xf32> to vector<16xf32>
        %mul3A_165 = arith.mulf %get3A_62, %get3A_164 : vector<16xf32>
        %add3A_166 = arith.addf %add3A_160, %mul3A_165 : vector<16xf32>
        %swap3A_167 = arith.index_cast %scan3A_52 : i32 to index
        %swap3A_168 = arith.constant 64 : index
        %swap3A_169 = tpu.vector_load %arg15[%swap3A_167, %swap3A_168] {strides = array<i32>} : memref<64x256xf32, #tpu.memory_space<vmem>>, vector<1x16xf32>,
        %swap3A_170 = vector.shape_cast %swap3A_169 : vector<1x16xf32> to vector<16xf32>
        %swap3A_171 = vector.shape_cast %add3A_166 : vector<16xf32> to vector<1x16xf32>
        tpu.vector_store %arg15[%swap3A_167, %swap3A_168], %swap3A_171 {strides = array<i32>} : memref<64x256xf32, #tpu.memory_space<vmem>>, vector<1x16xf32>,
        %get3A_172 = arith.index_cast %scan3A_52 : i32 to index
        %get3A_173 = arith.constant 80 : index
        %get3A_174 = tpu.vector_load %arg12[%get3A_172, %get3A_173] {strides = array<i32>} : memref<64x256xf32, #tpu.memory_space<vmem>>, vector<1x16xf32>,
        %get3A_175 = vector.shape_cast %get3A_174 : vector<1x16xf32> to vector<16xf32>
        %mul3A_176 = arith.mulf %get3A_56, %get3A_175 : vector<16xf32>
        %get3A_177 = arith.index_cast %scan3A_52 : i32 to index
        %get3A_178 = arith.constant 80 : index
        %get3A_179 = tpu.vector_load %arg13[%get3A_177, %get3A_178] {strides = array<i32>} : memref<64x256xf32, #tpu.memory_space<vmem>>, vector<1x16xf32>,
        %get3A_180 = vector.shape_cast %get3A_179 : vector<1x16xf32> to vector<16xf32>
        %mul3A_181 = arith.mulf %get3A_59, %get3A_180 : vector<16xf32>
        %add3A_182 = arith.addf %mul3A_176, %mul3A_181 : vector<16xf32>
        %get3A_183 = arith.index_cast %scan3A_52 : i32 to index
        %get3A_184 = arith.constant 80 : index
        %get3A_185 = tpu.vector_load %arg14[%get3A_183, %get3A_184] {strides = array<i32>} : memref<64x256xf32, #tpu.memory_space<vmem>>, vector<1x16xf32>,
        %get3A_186 = vector.shape_cast %get3A_185 : vector<1x16xf32> to vector<16xf32>
        %mul3A_187 = arith.mulf %get3A_62, %get3A_186 : vector<16xf32>
        %add3A_188 = arith.addf %add3A_182, %mul3A_187 : vector<16xf32>
        %swap3A_189 = arith.index_cast %scan3A_52 : i32 to index
        %swap3A_190 = arith.constant 80 : index
        %swap3A_191 = tpu.vector_load %arg15[%swap3A_189, %swap3A_190] {strides = array<i32>} : memref<64x256xf32, #tpu.memory_space<vmem>>, vector<1x16xf32>,
        %swap3A_192 = vector.shape_cast %swap3A_191 : vector<1x16xf32> to vector<16xf32>
        %swap3A_193 = vector.shape_cast %add3A_188 : vector<16xf32> to vector<1x16xf32>
        tpu.vector_store %arg15[%swap3A_189, %swap3A_190], %swap3A_193 {strides = array<i32>} : memref<64x256xf32, #tpu.memory_space<vmem>>, vector<1x16xf32>,
        %get3A_194 = arith.index_cast %scan3A_52 : i32 to index
        %get3A_195 = arith.constant 96 : index
        %get3A_196 = tpu.vector_load %arg12[%get3A_194, %get3A_195] {strides = array<i32>} : memref<64x256xf32, #tpu.memory_space<vmem>>, vector<1x16xf32>,
        %get3A_197 = vector.shape_cast %get3A_196 : vector<1x16xf32> to vector<16xf32>
        %mul3A_198 = arith.mulf %get3A_56, %get3A_197 : vector<16xf32>
        %get3A_199 = arith.index_cast %scan3A_52 : i32 to index
        %get3A_200 = arith.constant 96 : index
        %get3A_201 = tpu.vector_load %arg13[%get3A_199, %get3A_200] {strides = array<i32>} : memref<64x256xf32, #tpu.memory_space<vmem>>, vector<1x16xf32>,
        %get3A_202 = vector.shape_cast %get3A_201 : vector<1x16xf32> to vector<16xf32>
        %mul3A_203 = arith.mulf %get3A_59, %get3A_202 : vector<16xf32>
        %add3A_204 = arith.addf %mul3A_198, %mul3A_203 : vector<16xf32>
        %get3A_205 = arith.index_cast %scan3A_52 : i32 to index
        %get3A_206 = arith.constant 96 : index
        %get3A_207 = tpu.vector_load %arg14[%get3A_205, %get3A_206] {strides = array<i32>} : memref<64x256xf32, #tpu.memory_space<vmem>>, vector<1x16xf32>,
        %get3A_208 = vector.shape_cast %get3A_207 : vector<1x16xf32> to vector<16xf32>
        %mul3A_209 = arith.mulf %get3A_62, %get3A_208 : vector<16xf32>
        %add3A_210 = arith.addf %add3A_204, %mul3A_209 : vector<16xf32>
        %swap3A_211 = arith.index_cast %scan3A_52 : i32 to index
        %swap3A_212 = arith.constant 96 : index
        %swap3A_213 = tpu.vector_load %arg15[%swap3A_211, %swap3A_212] {strides = array<i32>} : memref<64x256xf32, #tpu.memory_space<vmem>>, vector<1x16xf32>,
        %swap3A_214 = vector.shape_cast %swap3A_213 : vector<1x16xf32> to vector<16xf32>
        %swap3A_215 = vector.shape_cast %add3A_210 : vector<16xf32> to vector<1x16xf32>
        tpu.vector_store %arg15[%swap3A_211, %swap3A_212], %swap3A_215 {strides = array<i32>} : memref<64x256xf32, #tpu.memory_space<vmem>>, vector<1x16xf32>,
        %get3A_216 = arith.index_cast %scan3A_52 : i32 to index
        %get3A_217 = arith.constant 112 : index
        %get3A_218 = tpu.vector_load %arg12[%get3A_216, %get3A_217] {strides = array<i32>} : memref<64x256xf32, #tpu.memory_space<vmem>>, vector<1x16xf32>,
        %get3A_219 = vector.shape_cast %get3A_218 : vector<1x16xf32> to vector<16xf32>
        %mul3A_220 = arith.mulf %get3A_56, %get3A_219 : vector<16xf32>
        %get3A_221 = arith.index_cast %scan3A_52 : i32 to index
        %get3A_222 = arith.constant 112 : index
        %get3A_223 = tpu.vector_load %arg13[%get3A_221, %get3A_222] {strides = array<i32>} : memref<64x256xf32, #tpu.memory_space<vmem>>, vector<1x16xf32>,
        %get3A_224 = vector.shape_cast %get3A_223 : vector<1x16xf32> to vector<16xf32>
        %mul3A_225 = arith.mulf %get3A_59, %get3A_224 : vector<16xf32>
        %add3A_226 = arith.addf %mul3A_220, %mul3A_225 : vector<16xf32>
        %get3A_227 = arith.index_cast %scan3A_52 : i32 to index
        %get3A_228 = arith.constant 112 : index
        %get3A_229 = tpu.vector_load %arg14[%get3A_227, %get3A_228] {strides = array<i32>} : memref<64x256xf32, #tpu.memory_space<vmem>>, vector<1x16xf32>,
        %get3A_230 = vector.shape_cast %get3A_229 : vector<1x16xf32> to vector<16xf32>
        %mul3A_231 = arith.mulf %get3A_62, %get3A_230 : vector<16xf32>
        %add3A_232 = arith.addf %add3A_226, %mul3A_231 : vector<16xf32>
        %swap3A_233 = arith.index_cast %scan3A_52 : i32 to index
        %swap3A_234 = arith.constant 112 : index
        %swap3A_235 = tpu.vector_load %arg15[%swap3A_233, %swap3A_234] {strides = array<i32>} : memref<64x256xf32, #tpu.memory_space<vmem>>, vector<1x16xf32>,
        %swap3A_236 = vector.shape_cast %swap3A_235 : vector<1x16xf32> to vector<16xf32>
        %swap3A_237 = vector.shape_cast %add3A_232 : vector<16xf32> to vector<1x16xf32>
        tpu.vector_store %arg15[%swap3A_233, %swap3A_234], %swap3A_237 {strides = array<i32>} : memref<64x256xf32, #tpu.memory_space<vmem>>, vector<1x16xf32>,
        %get3A_238 = arith.index_cast %scan3A_52 : i32 to index
        %get3A_239 = arith.constant 128 : index
        %get3A_240 = tpu.vector_load %arg12[%get3A_238, %get3A_239] {strides = array<i32>} : memref<64x256xf32, #tpu.memory_space<vmem>>, vector<1x16xf32>,
        %get3A_241 = vector.shape_cast %get3A_240 : vector<1x16xf32> to vector<16xf32>
        %mul3A_242 = arith.mulf %get3A_56, %get3A_241 : vector<16xf32>
        %get3A_243 = arith.index_cast %scan3A_52 : i32 to index
        %get3A_244 = arith.constant 128 : index
        %get3A_245 = tpu.vector_load %arg13[%get3A_243, %get3A_244] {strides = array<i32>} : memref<64x256xf32, #tpu.memory_space<vmem>>, vector<1x16xf32>,
        %get3A_246 = vector.shape_cast %get3A_245 : vector<1x16xf32> to vector<16xf32>
        %mul3A_247 = arith.mulf %get3A_59, %get3A_246 : vector<16xf32>
        %add3A_248 = arith.addf %mul3A_242, %mul3A_247 : vector<16xf32>
        %get3A_249 = arith.index_cast %scan3A_52 : i32 to index
        %get3A_250 = arith.constant 128 : index
        %get3A_251 = tpu.vector_load %arg14[%get3A_249, %get3A_250] {strides = array<i32>} : memref<64x256xf32, #tpu.memory_space<vmem>>, vector<1x16xf32>,
        %get3A_252 = vector.shape_cast %get3A_251 : vector<1x16xf32> to vector<16xf32>
        %mul3A_253 = arith.mulf %get3A_62, %get3A_252 : vector<16xf32>
        %add3A_254 = arith.addf %add3A_248, %mul3A_253 : vector<16xf32>
        %swap3A_255 = arith.index_cast %scan3A_52 : i32 to index
        %swap3A_256 = arith.constant 128 : index
        %swap3A_257 = tpu.vector_load %arg15[%swap3A_255, %swap3A_256] {strides = array<i32>} : memref<64x256xf32, #tpu.memory_space<vmem>>, vector<1x16xf32>,
        %swap3A_258 = vector.shape_cast %swap3A_257 : vector<1x16xf32> to vector<16xf32>
        %swap3A_259 = vector.shape_cast %add3A_254 : vector<16xf32> to vector<1x16xf32>
        tpu.vector_store %arg15[%swap3A_255, %swap3A_256], %swap3A_259 {strides = array<i32>} : memref<64x256xf32, #tpu.memory_space<vmem>>, vector<1x16xf32>,
        %get3A_260 = arith.index_cast %scan3A_52 : i32 to index
        %get3A_261 = arith.constant 144 : index
        %get3A_262 = tpu.vector_load %arg12[%get3A_260, %get3A_261] {strides = array<i32>} : memref<64x256xf32, #tpu.memory_space<vmem>>, vector<1x16xf32>,
        %get3A_263 = vector.shape_cast %get3A_262 : vector<1x16xf32> to vector<16xf32>
        %mul3A_264 = arith.mulf %get3A_56, %get3A_263 : vector<16xf32>
        %get3A_265 = arith.index_cast %scan3A_52 : i32 to index
        %get3A_266 = arith.constant 144 : index
        %get3A_267 = tpu.vector_load %arg13[%get3A_265, %get3A_266] {strides = array<i32>} : memref<64x256xf32, #tpu.memory_space<vmem>>, vector<1x16xf32>,
        %get3A_268 = vector.shape_cast %get3A_267 : vector<1x16xf32> to vector<16xf32>
        %mul3A_269 = arith.mulf %get3A_59, %get3A_268 : vector<16xf32>
        %add3A_270 = arith.addf %mul3A_264, %mul3A_269 : vector<16xf32>
        %get3A_271 = arith.index_cast %scan3A_52 : i32 to index
        %get3A_272 = arith.constant 144 : index
        %get3A_273 = tpu.vector_load %arg14[%get3A_271, %get3A_272] {strides = array<i32>} : memref<64x256xf32, #tpu.memory_space<vmem>>, vector<1x16xf32>,
        %get3A_274 = vector.shape_cast %get3A_273 : vector<1x16xf32> to vector<16xf32>
        %mul3A_275 = arith.mulf %get3A_62, %get3A_274 : vector<16xf32>
        %add3A_276 = arith.addf %add3A_270, %mul3A_275 : vector<16xf32>
        %swap3A_277 = arith.index_cast %scan3A_52 : i32 to index
        %swap3A_278 = arith.constant 144 : index
        %swap3A_279 = tpu.vector_load %arg15[%swap3A_277, %swap3A_278] {strides = array<i32>} : memref<64x256xf32, #tpu.memory_space<vmem>>, vector<1x16xf32>,
        %swap3A_280 = vector.shape_cast %swap3A_279 : vector<1x16xf32> to vector<16xf32>
        %swap3A_281 = vector.shape_cast %add3A_276 : vector<16xf32> to vector<1x16xf32>
        tpu.vector_store %arg15[%swap3A_277, %swap3A_278], %swap3A_281 {strides = array<i32>} : memref<64x256xf32, #tpu.memory_space<vmem>>, vector<1x16xf32>,
        %get3A_282 = arith.index_cast %scan3A_52 : i32 to index
        %get3A_283 = arith.constant 160 : index
        %get3A_284 = tpu.vector_load %arg12[%get3A_282, %get3A_283] {strides = array<i32>} : memref<64x256xf32, #tpu.memory_space<vmem>>, vector<1x16xf32>,
        %get3A_285 = vector.shape_cast %get3A_284 : vector<1x16xf32> to vector<16xf32>
        %mul3A_286 = arith.mulf %get3A_56, %get3A_285 : vector<16xf32>
        %get3A_287 = arith.index_cast %scan3A_52 : i32 to index
        %get3A_288 = arith.constant 160 : index
        %get3A_289 = tpu.vector_load %arg13[%get3A_287, %get3A_288] {strides = array<i32>} : memref<64x256xf32, #tpu.memory_space<vmem>>, vector<1x16xf32>,
        %get3A_290 = vector.shape_cast %get3A_289 : vector<1x16xf32> to vector<16xf32>
        %mul3A_291 = arith.mulf %get3A_59, %get3A_290 : vector<16xf32>
        %add3A_292 = arith.addf %mul3A_286, %mul3A_291 : vector<16xf32>
        %get3A_293 = arith.index_cast %scan3A_52 : i32 to index
        %get3A_294 = arith.constant 160 : index
        %get3A_295 = tpu.vector_load %arg14[%get3A_293, %get3A_294] {strides = array<i32>} : memref<64x256xf32, #tpu.memory_space<vmem>>, vector<1x16xf32>,
        %get3A_296 = vector.shape_cast %get3A_295 : vector<1x16xf32> to vector<16xf32>
        %mul3A_297 = arith.mulf %get3A_62, %get3A_296 : vector<16xf32>
        %add3A_298 = arith.addf %add3A_292, %mul3A_297 : vector<16xf32>
        %swap3A_299 = arith.index_cast %scan3A_52 : i32 to index
        %swap3A_300 = arith.constant 160 : index
        %swap3A_301 = tpu.vector_load %arg15[%swap3A_299, %swap3A_300] {strides = array<i32>} : memref<64x256xf32, #tpu.memory_space<vmem>>, vector<1x16xf32>,
        %swap3A_302 = vector.shape_cast %swap3A_301 : vector<1x16xf32> to vector<16xf32>
        %swap3A_303 = vector.shape_cast %add3A_298 : vector<16xf32> to vector<1x16xf32>
        tpu.vector_store %arg15[%swap3A_299, %swap3A_300], %swap3A_303 {strides = array<i32>} : memref<64x256xf32, #tpu.memory_space<vmem>>, vector<1x16xf32>,
        %get3A_304 = arith.index_cast %scan3A_52 : i32 to index
        %get3A_305 = arith.constant 176 : index
        %get3A_306 = tpu.vector_load %arg12[%get3A_304, %get3A_305] {strides = array<i32>} : memref<64x256xf32, #tpu.memory_space<vmem>>, vector<1x16xf32>,
        %get3A_307 = vector.shape_cast %get3A_306 : vector<1x16xf32> to vector<16xf32>
        %mul3A_308 = arith.mulf %get3A_56, %get3A_307 : vector<16xf32>
        %get3A_309 = arith.index_cast %scan3A_52 : i32 to index
        %get3A_310 = arith.constant 176 : index
        %get3A_311 = tpu.vector_load %arg13[%get3A_309, %get3A_310] {strides = array<i32>} : memref<64x256xf32, #tpu.memory_space<vmem>>, vector<1x16xf32>,
        %get3A_312 = vector.shape_cast %get3A_311 : vector<1x16xf32> to vector<16xf32>
        %mul3A_313 = arith.mulf %get3A_59, %get3A_312 : vector<16xf32>
        %add3A_314 = arith.addf %mul3A_308, %mul3A_313 : vector<16xf32>
        %get3A_315 = arith.index_cast %scan3A_52 : i32 to index
        %get3A_316 = arith.constant 176 : index
        %get3A_317 = tpu.vector_load %arg14[%get3A_315, %get3A_316] {strides = array<i32>} : memref<64x256xf32, #tpu.memory_space<vmem>>, vector<1x16xf32>,
        %get3A_318 = vector.shape_cast %get3A_317 : vector<1x16xf32> to vector<16xf32>
        %mul3A_319 = arith.mulf %get3A_62, %get3A_318 : vector<16xf32>
        %add3A_320 = arith.addf %add3A_314, %mul3A_319 : vector<16xf32>
        %swap3A_321 = arith.index_cast %scan3A_52 : i32 to index
        %swap3A_322 = arith.constant 176 : index
        %swap3A_323 = tpu.vector_load %arg15[%swap3A_321, %swap3A_322] {strides = array<i32>} : memref<64x256xf32, #tpu.memory_space<vmem>>, vector<1x16xf32>,
        %swap3A_324 = vector.shape_cast %swap3A_323 : vector<1x16xf32> to vector<16xf32>
        %swap3A_325 = vector.shape_cast %add3A_320 : vector<16xf32> to vector<1x16xf32>
        tpu.vector_store %arg15[%swap3A_321, %swap3A_322], %swap3A_325 {strides = array<i32>} : memref<64x256xf32, #tpu.memory_space<vmem>>, vector<1x16xf32>,
        %get3A_326 = arith.index_cast %scan3A_52 : i32 to index
        %get3A_327 = arith.constant 192 : index
        %get3A_328 = tpu.vector_load %arg12[%get3A_326, %get3A_327] {strides = array<i32>} : memref<64x256xf32, #tpu.memory_space<vmem>>, vector<1x16xf32>,
        %get3A_329 = vector.shape_cast %get3A_328 : vector<1x16xf32> to vector<16xf32>
        %mul3A_330 = arith.mulf %get3A_56, %get3A_329 : vector<16xf32>
        %get3A_331 = arith.index_cast %scan3A_52 : i32 to index
        %get3A_332 = arith.constant 192 : index
        %get3A_333 = tpu.vector_load %arg13[%get3A_331, %get3A_332] {strides = array<i32>} : memref<64x256xf32, #tpu.memory_space<vmem>>, vector<1x16xf32>,
        %get3A_334 = vector.shape_cast %get3A_333 : vector<1x16xf32> to vector<16xf32>
        %mul3A_335 = arith.mulf %get3A_59, %get3A_334 : vector<16xf32>
        %add3A_336 = arith.addf %mul3A_330, %mul3A_335 : vector<16xf32>
        %get3A_337 = arith.index_cast %scan3A_52 : i32 to index
        %get3A_338 = arith.constant 192 : index
        %get3A_339 = tpu.vector_load %arg14[%get3A_337, %get3A_338] {strides = array<i32>} : memref<64x256xf32, #tpu.memory_space<vmem>>, vector<1x16xf32>,
        %get3A_340 = vector.shape_cast %get3A_339 : vector<1x16xf32> to vector<16xf32>
        %mul3A_341 = arith.mulf %get3A_62, %get3A_340 : vector<16xf32>
        %add3A_342 = arith.addf %add3A_336, %mul3A_341 : vector<16xf32>
        %swap3A_343 = arith.index_cast %scan3A_52 : i32 to index
        %swap3A_344 = arith.constant 192 : index
        %swap3A_345 = tpu.vector_load %arg15[%swap3A_343, %swap3A_344] {strides = array<i32>} : memref<64x256xf32, #tpu.memory_space<vmem>>, vector<1x16xf32>,
        %swap3A_346 = vector.shape_cast %swap3A_345 : vector<1x16xf32> to vector<16xf32>
        %swap3A_347 = vector.shape_cast %add3A_342 : vector<16xf32> to vector<1x16xf32>
        tpu.vector_store %arg15[%swap3A_343, %swap3A_344], %swap3A_347 {strides = array<i32>} : memref<64x256xf32, #tpu.memory_space<vmem>>, vector<1x16xf32>,
        %get3A_348 = arith.index_cast %scan3A_52 : i32 to index
        %get3A_349 = arith.constant 208 : index
        %get3A_350 = tpu.vector_load %arg12[%get3A_348, %get3A_349] {strides = array<i32>} : memref<64x256xf32, #tpu.memory_space<vmem>>, vector<1x16xf32>,
        %get3A_351 = vector.shape_cast %get3A_350 : vector<1x16xf32> to vector<16xf32>
        %mul3A_352 = arith.mulf %get3A_56, %get3A_351 : vector<16xf32>
        %get3A_353 = arith.index_cast %scan3A_52 : i32 to index
        %get3A_354 = arith.constant 208 : index
        %get3A_355 = tpu.vector_load %arg13[%get3A_353, %get3A_354] {strides = array<i32>} : memref<64x256xf32, #tpu.memory_space<vmem>>, vector<1x16xf32>,
        %get3A_356 = vector.shape_cast %get3A_355 : vector<1x16xf32> to vector<16xf32>
        %mul3A_357 = arith.mulf %get3A_59, %get3A_356 : vector<16xf32>
        %add3A_358 = arith.addf %mul3A_352, %mul3A_357 : vector<16xf32>
        %get3A_359 = arith.index_cast %scan3A_52 : i32 to index
        %get3A_360 = arith.constant 208 : index
        %get3A_361 = tpu.vector_load %arg14[%get3A_359, %get3A_360] {strides = array<i32>} : memref<64x256xf32, #tpu.memory_space<vmem>>, vector<1x16xf32>,
        %get3A_362 = vector.shape_cast %get3A_361 : vector<1x16xf32> to vector<16xf32>
        %mul3A_363 = arith.mulf %get3A_62, %get3A_362 : vector<16xf32>
        %add3A_364 = arith.addf %add3A_358, %mul3A_363 : vector<16xf32>
        %swap3A_365 = arith.index_cast %scan3A_52 : i32 to index
        %swap3A_366 = arith.constant 208 : index
        %swap3A_367 = tpu.vector_load %arg15[%swap3A_365, %swap3A_366] {strides = array<i32>} : memref<64x256xf32, #tpu.memory_space<vmem>>, vector<1x16xf32>,
        %swap3A_368 = vector.shape_cast %swap3A_367 : vector<1x16xf32> to vector<16xf32>
        %swap3A_369 = vector.shape_cast %add3A_364 : vector<16xf32> to vector<1x16xf32>
        tpu.vector_store %arg15[%swap3A_365, %swap3A_366], %swap3A_369 {strides = array<i32>} : memref<64x256xf32, #tpu.memory_space<vmem>>, vector<1x16xf32>,
        %get3A_370 = arith.index_cast %scan3A_52 : i32 to index
        %get3A_371 = arith.constant 224 : index
        %get3A_372 = tpu.vector_load %arg12[%get3A_370, %get3A_371] {strides = array<i32>} : memref<64x256xf32, #tpu.memory_space<vmem>>, vector<1x16xf32>,
        %get3A_373 = vector.shape_cast %get3A_372 : vector<1x16xf32> to vector<16xf32>
        %mul3A_374 = arith.mulf %get3A_56, %get3A_373 : vector<16xf32>
        %get3A_375 = arith.index_cast %scan3A_52 : i32 to index
        %get3A_376 = arith.constant 224 : index
        %get3A_377 = tpu.vector_load %arg13[%get3A_375, %get3A_376] {strides = array<i32>} : memref<64x256xf32, #tpu.memory_space<vmem>>, vector<1x16xf32>,
        %get3A_378 = vector.shape_cast %get3A_377 : vector<1x16xf32> to vector<16xf32>
        %mul3A_379 = arith.mulf %get3A_59, %get3A_378 : vector<16xf32>
        %add3A_380 = arith.addf %mul3A_374, %mul3A_379 : vector<16xf32>
        %get3A_381 = arith.index_cast %scan3A_52 : i32 to index
        %get3A_382 = arith.constant 224 : index
        %get3A_383 = tpu.vector_load %arg14[%get3A_381, %get3A_382] {strides = array<i32>} : memref<64x256xf32, #tpu.memory_space<vmem>>, vector<1x16xf32>,
        %get3A_384 = vector.shape_cast %get3A_383 : vector<1x16xf32> to vector<16xf32>
        %mul3A_385 = arith.mulf %get3A_62, %get3A_384 : vector<16xf32>
        %add3A_386 = arith.addf %add3A_380, %mul3A_385 : vector<16xf32>
        %swap3A_387 = arith.index_cast %scan3A_52 : i32 to index
        %swap3A_388 = arith.constant 224 : index
        %swap3A_389 = tpu.vector_load %arg15[%swap3A_387, %swap3A_388] {strides = array<i32>} : memref<64x256xf32, #tpu.memory_space<vmem>>, vector<1x16xf32>,
        %swap3A_390 = vector.shape_cast %swap3A_389 : vector<1x16xf32> to vector<16xf32>
        %swap3A_391 = vector.shape_cast %add3A_386 : vector<16xf32> to vector<1x16xf32>
        tpu.vector_store %arg15[%swap3A_387, %swap3A_388], %swap3A_391 {strides = array<i32>} : memref<64x256xf32, #tpu.memory_space<vmem>>, vector<1x16xf32>,
        %get3A_392 = arith.index_cast %scan3A_52 : i32 to index
        %get3A_393 = arith.constant 240 : index
        %get3A_394 = tpu.vector_load %arg12[%get3A_392, %get3A_393] {strides = array<i32>} : memref<64x256xf32, #tpu.memory_space<vmem>>, vector<1x16xf32>,
        %get3A_395 = vector.shape_cast %get3A_394 : vector<1x16xf32> to vector<16xf32>
        %mul3A_396 = arith.mulf %get3A_56, %get3A_395 : vector<16xf32>
        %get3A_397 = arith.index_cast %scan3A_52 : i32 to index
        %get3A_398 = arith.constant 240 : index
        %get3A_399 = tpu.vector_load %arg13[%get3A_397, %get3A_398] {strides = array<i32>} : memref<64x256xf32, #tpu.memory_space<vmem>>, vector<1x16xf32>,
        %get3A_400 = vector.shape_cast %get3A_399 : vector<1x16xf32> to vector<16xf32>
        %mul3A_401 = arith.mulf %get3A_59, %get3A_400 : vector<16xf32>
        %add3A_402 = arith.addf %mul3A_396, %mul3A_401 : vector<16xf32>
        %get3A_403 = arith.index_cast %scan3A_52 : i32 to index
        %get3A_404 = arith.constant 240 : index
        %get3A_405 = tpu.vector_load %arg14[%get3A_403, %get3A_404] {strides = array<i32>} : memref<64x256xf32, #tpu.memory_space<vmem>>, vector<1x16xf32>,
        %get3A_406 = vector.shape_cast %get3A_405 : vector<1x16xf32> to vector<16xf32>
        %mul3A_407 = arith.mulf %get3A_62, %get3A_406 : vector<16xf32>
        %add3A_408 = arith.addf %add3A_402, %mul3A_407 : vector<16xf32>
        %swap3A_409 = arith.index_cast %scan3A_52 : i32 to index
        %swap3A_410 = arith.constant 240 : index
        %swap3A_411 = tpu.vector_load %arg15[%swap3A_409, %swap3A_410] {strides = array<i32>} : memref<64x256xf32, #tpu.memory_space<vmem>>, vector<1x16xf32>,
        %swap3A_412 = vector.shape_cast %swap3A_411 : vector<1x16xf32> to vector<16xf32>
        %swap3A_413 = vector.shape_cast %add3A_408 : vector<16xf32> to vector<1x16xf32>
        tpu.vector_store %arg15[%swap3A_409, %swap3A_410], %swap3A_413 {strides = array<i32>} : memref<64x256xf32, #tpu.memory_space<vmem>>, vector<1x16xf32>,
      }
      %scan3A_51 = arith.constant 64 : i32
      "tpu.region"() ({
        %run_scoped3A = tpu.sem_alloc : memref<!tpu.dma_semaphore, #tpu.memory_space<semaphore_mem>>
        %dma_start3A_52 = arith.constant 0 : i32
        %dma_start3A_53 = tpu.memref_slice %arg5[%add3A_11, %dma_start3A_52] : memref<32768x256xf32, #tpu.memory_space<hbm>> -> memref<64x256xf32, #tpu.memory_space<hbm>>
        %dma_start3A_54 = arith.constant 0 : i32
        %dma_start3A_55 = tpu.memref_slice %arg5[%add3A_11, %dma_start3A_54] : memref<32768x256xf32, #tpu.memory_space<hbm>> -> memref<64x256xf32, #tpu.memory_space<hbm>>
        tpu.enqueue_dma source(%arg15 : memref<64x256xf32, #tpu.memory_space<vmem>>) target(%dma_start3A_55 : memref<64x256xf32, #tpu.memory_space<hbm>>) target_semaphore(%run_scoped3A : memref<!tpu.dma_semaphore, #tpu.memory_space<semaphore_mem>>)
        %dma_wait3A_56 = arith.constant 0 : i32
        %dma_wait3A_57 = tpu.memref_slice %arg5[%add3A_11, %dma_wait3A_56] : memref<32768x256xf32, #tpu.memory_space<hbm>> -> memref<64x256xf32, #tpu.memory_space<hbm>>
        %dma_wait3A_58 = arith.constant 0 : i32
        %dma_wait3A_59 = tpu.memref_slice %arg5[%add3A_11, %dma_wait3A_58] : memref<32768x256xf32, #tpu.memory_space<hbm>> -> memref<64x256xf32, #tpu.memory_space<hbm>>
        tpu.wait_dma2 semaphore(%run_scoped3A : memref<!tpu.dma_semaphore, #tpu.memory_space<semaphore_mem>>) src(%arg15 : memref<64x256xf32, #tpu.memory_space<vmem>>) dst(%dma_wait3A_59 : memref<64x256xf32, #tpu.memory_space<hbm>>)
        tpu.yield
      }) : () -> ()
    }
    %scan3A_5 = arith.constant 16 : i32
    return
  }
}

module attributes {stable_mosaic.version = 14 : i64} {
  func.func @_top3_body(%arg0: i32, %arg1: i32, %arg2: memref<1x512x3xf32, #tpu.memory_space<vmem>>, %arg3: memref<1x2048x3xf32, #tpu.memory_space<vmem>>, %arg4: memref<1x512x128xf32, #tpu.memory_space<vmem>>, %arg5: memref<512x2048xi32, #tpu.memory_space<vmem>>, %arg6: memref<512x128xi32, #tpu.memory_space<vmem>>, %arg7: memref<512x128xi32, #tpu.memory_space<vmem>>, %arg8: memref<512x128xi32, #tpu.memory_space<vmem>>) attributes {dimension_semantics = [#tpu.dimension_semantics<arbitrary>, #tpu.dimension_semantics<arbitrary>], iteration_bounds = array<i64: 4, 16>, scalar_prefetch = 0 : i64, scratch_operands = 4 : i64, tpu.core_type = #tpu.core_type<tc>, window_params = [{transform_indices = @transform_0, window_bounds = array<i64: 1, 512, 3>}, {transform_indices = @transform_1, window_bounds = array<i64: 1, 2048, 3>}, {transform_indices = @transform_2, window_bounds = array<i64: 1, 512, 128>}]} {
    %get3A = arith.constant 0 : index
    %get3A_0 = arith.constant 0 : index
    %get3A_1 = arith.constant 0 : index
    %get3A_2 = vector.load %arg2[%get3A, %get3A_0, %get3A_1] : memref<1x512x3xf32, #tpu.memory_space<vmem>>, vector<1x512x3xf32>
    %get3A_3 = vector.shape_cast %get3A_2 : vector<1x512x3xf32> to vector<512x3xf32>
    %get3A_4 = arith.constant 0 : index
    %get3A_5 = arith.constant 0 : index
    %get3A_6 = arith.constant 0 : index
    %get3A_7 = vector.load %arg3[%get3A_4, %get3A_5, %get3A_6] : memref<1x2048x3xf32, #tpu.memory_space<vmem>>, vector<1x2048x3xf32>
    %get3A_8 = vector.shape_cast %get3A_7 : vector<1x2048x3xf32> to vector<2048x3xf32>
    %mul3A = arith.mulf %get3A_3, %get3A_3 : vector<512x3xf32>
    %reduce_sum3A = arith.constant dense<0.000000e+00> : vector<512xf32>
    %reduce_sum3A_9 = vector.multi_reduction <add>, %mul3A, %reduce_sum3A [1] : vector<512x3xf32> to vector<512xf32>
    %mul3A_10 = arith.mulf %get3A_8, %get3A_8 : vector<2048x3xf32>
    %reduce_sum3A_11 = arith.constant dense<0.000000e+00> : vector<2048xf32>
    %reduce_sum3A_12 = vector.multi_reduction <add>, %mul3A_10, %reduce_sum3A_11 [1] : vector<2048x3xf32> to vector<2048xf32>
    %dot_general3A = arith.constant dense<0.000000e+00> : vector<512x2048xf32>
    %dot_general3A_13 = tpu.matmul %get3A_3, %get3A_8, %dot_general3A {dimension_numbers = #tpu.dot_dimension_numbers<[1], [1], [0], [0], [0, 0, 1, 0], [], []>, transpose_lhs_hint = false} : vector<512x3xf32>, vector<2048x3xf32>, vector<512x2048xf32> -> vector<512x2048xf32>
    %broadcast_in_dim3A = vector.shape_cast %reduce_sum3A_9 : vector<512xf32> to vector<512x1xf32>
    %broadcast_in_dim3A_14 = vector.shape_cast %reduce_sum3A_12 : vector<2048xf32> to vector<1x2048xf32>
    %add3A = vector.broadcast %broadcast_in_dim3A : vector<512x1xf32> to vector<512x2048xf32>
    %add3A_15 = vector.broadcast %broadcast_in_dim3A_14 : vector<1x2048xf32> to vector<512x2048xf32>
    %add3A_16 = arith.addf %add3A, %add3A_15 : vector<512x2048xf32>
    %mul3A_17 = arith.constant 2.000000e+00 : f32
    %mul3A_18 = vector.broadcast %mul3A_17 : f32 to vector<512x2048xf32>
    %mul3A_19 = arith.mulf %mul3A_18, %dot_general3A_13 : vector<512x2048xf32>
    %sub3A = arith.subf %add3A_16, %mul3A_19 : vector<512x2048xf32>
    %bitcast_convert_type3A = tpu.bitcast %sub3A : vector<512x2048xf32> -> vector<512x2048xi32>
    %lt3A = arith.constant 0 : i32
    %lt3A_20 = vector.broadcast %lt3A : i32 to vector<512x2048xi32>
    %lt3A_21 = arith.cmpi slt, %bitcast_convert_type3A, %lt3A_20 : vector<512x2048xi32>
    %xor3A = arith.constant 2147483647 : i32
    %xor3A_22 = vector.broadcast %xor3A : i32 to vector<512x2048xi32>
    %xor3A_23 = arith.xori %bitcast_convert_type3A, %xor3A_22 : vector<512x2048xi32>
    %select_n3A = arith.select %lt3A_21, %xor3A_23, %bitcast_convert_type3A : vector<512x2048xi1>, vector<512x2048xi32>
    %add3A_24 = arith.constant 8 : i32
    %add3A_25 = vector.broadcast %add3A_24 : i32 to vector<512x2048xi32>
    %add3A_26 = arith.addi %select_n3A, %add3A_25 : vector<512x2048xi32>
    %and3A = arith.constant -16 : i32
    %and3A_27 = vector.broadcast %and3A : i32 to vector<512x2048xi32>
    %and3A_28 = arith.andi %add3A_26, %and3A_27 : vector<512x2048xi32>
    %swap3A = arith.constant 0 : index
    %swap3A_29 = arith.constant 0 : index
    %swap3A_30 = vector.load %arg5[%swap3A, %swap3A_29] : memref<512x2048xi32, #tpu.memory_space<vmem>>, vector<512x2048xi32>
    tpu.vector_store %arg5[%swap3A, %swap3A_29], %and3A_28 {strides = array<i32>} : memref<512x2048xi32, #tpu.memory_space<vmem>>, vector<512x2048xi32>,
    %get3A_31 = arith.constant 0 : index
    %get3A_32 = arith.constant 0 : index
    %get3A_33 = vector.load %arg5[%get3A_31, %get3A_32] : memref<512x2048xi32, #tpu.memory_space<vmem>>, vector<512x128xi32>
    %swap3A_34 = arith.constant 0 : index
    %swap3A_35 = arith.constant 0 : index
    %swap3A_36 = vector.load %arg6[%swap3A_34, %swap3A_35] : memref<512x128xi32, #tpu.memory_space<vmem>>, vector<512x128xi32>
    tpu.vector_store %arg6[%swap3A_34, %swap3A_35], %get3A_33 {strides = array<i32>} : memref<512x128xi32, #tpu.memory_space<vmem>>, vector<512x128xi32>,
    %broadcast_in_dim3A_37 = arith.constant 2147483647 : i32
    %broadcast_in_dim3A_38 = vector.broadcast %broadcast_in_dim3A_37 : i32 to vector<512x128xi32>
    %swap3A_39 = arith.constant 0 : index
    %swap3A_40 = arith.constant 0 : index
    %swap3A_41 = vector.load %arg7[%swap3A_39, %swap3A_40] : memref<512x128xi32, #tpu.memory_space<vmem>>, vector<512x128xi32>
    tpu.vector_store %arg7[%swap3A_39, %swap3A_40], %broadcast_in_dim3A_38 {strides = array<i32>} : memref<512x128xi32, #tpu.memory_space<vmem>>, vector<512x128xi32>,
    %broadcast_in_dim3A_42 = arith.constant 2147483647 : i32
    %broadcast_in_dim3A_43 = vector.broadcast %broadcast_in_dim3A_42 : i32 to vector<512x128xi32>
    %swap3A_44 = arith.constant 0 : index
    %swap3A_45 = arith.constant 0 : index
    %swap3A_46 = vector.load %arg8[%swap3A_44, %swap3A_45] : memref<512x128xi32, #tpu.memory_space<vmem>>, vector<512x128xi32>
    tpu.vector_store %arg8[%swap3A_44, %swap3A_45], %broadcast_in_dim3A_43 {strides = array<i32>} : memref<512x128xi32, #tpu.memory_space<vmem>>, vector<512x128xi32>,
    %scan3A = arith.constant 1 : i32
    %scan3A_47 = arith.constant 15 : i32
    %scan3A_48 = arith.addi %scan3A, %scan3A_47 : i32
    %scan3A_49 = arith.constant 1 : i32
    scf.for %scan3A_227 = %scan3A to %scan3A_48 step %scan3A_49  : i32 {
      %mul3A_228 = arith.constant 128 : i32
      %mul3A_229 = arith.muli %scan3A_227, %mul3A_228 : i32
      %get3A_230 = arith.constant 0 : index
      %get3A_231 = arith.index_cast %mul3A_229 : i32 to index
      %get3A_232 = vector.load %arg5[%get3A_230, %get3A_231] : memref<512x2048xi32, #tpu.memory_space<vmem>>, vector<512x128xi32>
      %or3A = vector.broadcast %scan3A_227 : i32 to vector<512x128xi32>
      %or3A_233 = arith.ori %get3A_232, %or3A : vector<512x128xi32>
      %get3A_234 = arith.constant 0 : index
      %get3A_235 = arith.constant 0 : index
      %get3A_236 = vector.load %arg6[%get3A_234, %get3A_235] : memref<512x128xi32, #tpu.memory_space<vmem>>, vector<512x128xi32>
      %get3A_237 = arith.constant 0 : index
      %get3A_238 = arith.constant 0 : index
      %get3A_239 = vector.load %arg7[%get3A_237, %get3A_238] : memref<512x128xi32, #tpu.memory_space<vmem>>, vector<512x128xi32>
      %get3A_240 = arith.constant 0 : index
      %get3A_241 = arith.constant 0 : index
      %get3A_242 = vector.load %arg8[%get3A_240, %get3A_241] : memref<512x128xi32, #tpu.memory_space<vmem>>, vector<512x128xi32>
      %max3A = arith.maxsi %get3A_236, %or3A_233 : vector<512x128xi32>
      %min3A = arith.minsi %get3A_236, %or3A_233 : vector<512x128xi32>
      %swap3A_243 = arith.constant 0 : index
      %swap3A_244 = arith.constant 0 : index
      %swap3A_245 = vector.load %arg6[%swap3A_243, %swap3A_244] : memref<512x128xi32, #tpu.memory_space<vmem>>, vector<512x128xi32>
      tpu.vector_store %arg6[%swap3A_243, %swap3A_244], %min3A {strides = array<i32>} : memref<512x128xi32, #tpu.memory_space<vmem>>, vector<512x128xi32>,
      %max3A_246 = arith.maxsi %get3A_239, %max3A : vector<512x128xi32>
      %min3A_247 = arith.minsi %get3A_239, %max3A : vector<512x128xi32>
      %swap3A_248 = arith.constant 0 : index
      %swap3A_249 = arith.constant 0 : index
      %swap3A_250 = vector.load %arg7[%swap3A_248, %swap3A_249] : memref<512x128xi32, #tpu.memory_space<vmem>>, vector<512x128xi32>
      tpu.vector_store %arg7[%swap3A_248, %swap3A_249], %min3A_247 {strides = array<i32>} : memref<512x128xi32, #tpu.memory_space<vmem>>, vector<512x128xi32>,
      %min3A_251 = arith.minsi %get3A_242, %max3A_246 : vector<512x128xi32>
      %swap3A_252 = arith.constant 0 : index
      %swap3A_253 = arith.constant 0 : index
      %swap3A_254 = vector.load %arg8[%swap3A_252, %swap3A_253] : memref<512x128xi32, #tpu.memory_space<vmem>>, vector<512x128xi32>
      tpu.vector_store %arg8[%swap3A_252, %swap3A_253], %min3A_251 {strides = array<i32>} : memref<512x128xi32, #tpu.memory_space<vmem>>, vector<512x128xi32>,
    }
    %scan3A_50 = arith.constant 15 : i32
    %get3A_51 = arith.constant 0 : index
    %get3A_52 = arith.constant 0 : index
    %get3A_53 = vector.load %arg6[%get3A_51, %get3A_52] : memref<512x128xi32, #tpu.memory_space<vmem>>, vector<512x128xi32>
    %get3A_54 = arith.constant 0 : index
    %get3A_55 = arith.constant 0 : index
    %get3A_56 = vector.load %arg7[%get3A_54, %get3A_55] : memref<512x128xi32, #tpu.memory_space<vmem>>, vector<512x128xi32>
    %get3A_57 = arith.constant 0 : index
    %get3A_58 = arith.constant 0 : index
    %get3A_59 = vector.load %arg8[%get3A_57, %get3A_58] : memref<512x128xi32, #tpu.memory_space<vmem>>, vector<512x128xi32>
    %concatenate3A = tpu.concatenate %get3A_53, %get3A_56, %get3A_59 in 1 : vector<512x128xi32>, vector<512x128xi32>, vector<512x128xi32> -> vector<512x384xi32>
    %iota3A = tpu.iota {dimensions = array<i32: 1>} : vector<512x384xi32>
    %and3A_60 = arith.constant 127 : i32
    %and3A_61 = vector.broadcast %and3A_60 : i32 to vector<512x384xi32>
    %and3A_62 = arith.andi %iota3A, %and3A_61 : vector<512x384xi32>
    %reduce_min3A = arith.constant dense<2147483647> : vector<512xi32>
    %reduce_min3A_63 = vector.multi_reduction <minsi>, %concatenate3A, %reduce_min3A [1] : vector<512x384xi32> to vector<512xi32>
    %broadcast_in_dim3A_64 = vector.shape_cast %reduce_min3A_63 : vector<512xi32> to vector<512x1xi32>
    %eq3A = vector.broadcast %broadcast_in_dim3A_64 : vector<512x1xi32> to vector<512x384xi32>
    %eq3A_65 = arith.cmpi eq, %concatenate3A, %eq3A : vector<512x384xi32>
    %jit3A = arith.constant 128 : i32
    %broadcast_in_dim3A_66 = vector.broadcast %jit3A : i32 to vector<512x384xi32>
    %select_n3A_67 = arith.select %eq3A_65, %and3A_62, %broadcast_in_dim3A_66 : vector<512x384xi1>, vector<512x384xi32>
    %reduce_min3A_68 = arith.constant dense<2147483647> : vector<512xi32>
    %reduce_min3A_69 = vector.multi_reduction <minsi>, %select_n3A_67, %reduce_min3A_68 [1] : vector<512x384xi32> to vector<512xi32>
    %jit3A_70 = arith.constant 2147483647 : i32
    %broadcast_in_dim3A_71 = vector.broadcast %jit3A_70 : i32 to vector<512x384xi32>
    %select_n3A_72 = arith.select %eq3A_65, %broadcast_in_dim3A_71, %concatenate3A : vector<512x384xi1>, vector<512x384xi32>
    %reduce_min3A_73 = arith.constant dense<2147483647> : vector<512xi32>
    %reduce_min3A_74 = vector.multi_reduction <minsi>, %select_n3A_72, %reduce_min3A_73 [1] : vector<512x384xi32> to vector<512xi32>
    %broadcast_in_dim3A_75 = vector.shape_cast %reduce_min3A_74 : vector<512xi32> to vector<512x1xi32>
    %eq3A_76 = vector.broadcast %broadcast_in_dim3A_75 : vector<512x1xi32> to vector<512x384xi32>
    %eq3A_77 = arith.cmpi eq, %select_n3A_72, %eq3A_76 : vector<512x384xi32>
    %jit3A_78 = arith.constant 128 : i32
    %broadcast_in_dim3A_79 = vector.broadcast %jit3A_78 : i32 to vector<512x384xi32>
    %select_n3A_80 = arith.select %eq3A_77, %and3A_62, %broadcast_in_dim3A_79 : vector<512x384xi1>, vector<512x384xi32>
    %reduce_min3A_81 = arith.constant dense<2147483647> : vector<512xi32>
    %reduce_min3A_82 = vector.multi_reduction <minsi>, %select_n3A_80, %reduce_min3A_81 [1] : vector<512x384xi32> to vector<512xi32>
    %jit3A_83 = arith.constant 2147483647 : i32
    %broadcast_in_dim3A_84 = vector.broadcast %jit3A_83 : i32 to vector<512x384xi32>
    %select_n3A_85 = arith.select %eq3A_77, %broadcast_in_dim3A_84, %select_n3A_72 : vector<512x384xi1>, vector<512x384xi32>
    %reduce_min3A_86 = arith.constant dense<2147483647> : vector<512xi32>
    %reduce_min3A_87 = vector.multi_reduction <minsi>, %select_n3A_85, %reduce_min3A_86 [1] : vector<512x384xi32> to vector<512xi32>
    %broadcast_in_dim3A_88 = vector.shape_cast %reduce_min3A_87 : vector<512xi32> to vector<512x1xi32>
    %eq3A_89 = vector.broadcast %broadcast_in_dim3A_88 : vector<512x1xi32> to vector<512x384xi32>
    %eq3A_90 = arith.cmpi eq, %select_n3A_85, %eq3A_89 : vector<512x384xi32>
    %jit3A_91 = arith.constant 128 : i32
    %broadcast_in_dim3A_92 = vector.broadcast %jit3A_91 : i32 to vector<512x384xi32>
    %select_n3A_93 = arith.select %eq3A_90, %and3A_62, %broadcast_in_dim3A_92 : vector<512x384xi1>, vector<512x384xi32>
    %reduce_min3A_94 = arith.constant dense<2147483647> : vector<512xi32>
    %reduce_min3A_95 = vector.multi_reduction <minsi>, %select_n3A_93, %reduce_min3A_94 [1] : vector<512x384xi32> to vector<512xi32>
    %and3A_96 = arith.constant -16 : i32
    %and3A_97 = vector.broadcast %and3A_96 : i32 to vector<512xi32>
    %and3A_98 = arith.andi %reduce_min3A_63, %and3A_97 : vector<512xi32>
    %lt3A_99 = arith.constant 0 : i32
    %lt3A_100 = vector.broadcast %lt3A_99 : i32 to vector<512xi32>
    %lt3A_101 = arith.cmpi slt, %and3A_98, %lt3A_100 : vector<512xi32>
    %xor3A_102 = arith.constant 2147483647 : i32
    %xor3A_103 = vector.broadcast %xor3A_102 : i32 to vector<512xi32>
    %xor3A_104 = arith.xori %and3A_98, %xor3A_103 : vector<512xi32>
    %select_n3A_105 = arith.select %lt3A_101, %xor3A_104, %and3A_98 : vector<512xi1>, vector<512xi32>
    %bitcast_convert_type3A_106 = tpu.bitcast %select_n3A_105 : vector<512xi32> -> vector<512xf32>
    %add3A_107 = arith.constant 9.99999993E-9 : f32
    %add3A_108 = vector.broadcast %add3A_107 : f32 to vector<512xf32>
    %add3A_109 = arith.addf %bitcast_convert_type3A_106, %add3A_108 : vector<512xf32>
    %div3A = arith.constant 1.000000e+00 : f32
    %div3A_110 = vector.broadcast %div3A : f32 to vector<512xf32>
    %div3A_111 = arith.divf %div3A_110, %add3A_109 : vector<512xf32>
    %and3A_112 = arith.constant 15 : i32
    %and3A_113 = vector.broadcast %and3A_112 : i32 to vector<512xi32>
    %and3A_114 = arith.andi %reduce_min3A_63, %and3A_113 : vector<512xi32>
    %mul3A_115 = arith.constant 128 : i32
    %mul3A_116 = vector.broadcast %mul3A_115 : i32 to vector<512xi32>
    %mul3A_117 = arith.muli %and3A_114, %mul3A_116 : vector<512xi32>
    %add3A_118 = arith.addi %mul3A_117, %reduce_min3A_69 : vector<512xi32>
    %and3A_119 = arith.constant -16 : i32
    %and3A_120 = vector.broadcast %and3A_119 : i32 to vector<512xi32>
    %and3A_121 = arith.andi %reduce_min3A_74, %and3A_120 : vector<512xi32>
    %lt3A_122 = arith.constant 0 : i32
    %lt3A_123 = vector.broadcast %lt3A_122 : i32 to vector<512xi32>
    %lt3A_124 = arith.cmpi slt, %and3A_121, %lt3A_123 : vector<512xi32>
    %xor3A_125 = arith.constant 2147483647 : i32
    %xor3A_126 = vector.broadcast %xor3A_125 : i32 to vector<512xi32>
    %xor3A_127 = arith.xori %and3A_121, %xor3A_126 : vector<512xi32>
    %select_n3A_128 = arith.select %lt3A_124, %xor3A_127, %and3A_121 : vector<512xi1>, vector<512xi32>
    %bitcast_convert_type3A_129 = tpu.bitcast %select_n3A_128 : vector<512xi32> -> vector<512xf32>
    %add3A_130 = arith.constant 9.99999993E-9 : f32
    %add3A_131 = vector.broadcast %add3A_130 : f32 to vector<512xf32>
    %add3A_132 = arith.addf %bitcast_convert_type3A_129, %add3A_131 : vector<512xf32>
    %div3A_133 = arith.constant 1.000000e+00 : f32
    %div3A_134 = vector.broadcast %div3A_133 : f32 to vector<512xf32>
    %div3A_135 = arith.divf %div3A_134, %add3A_132 : vector<512xf32>
    %and3A_136 = arith.constant 15 : i32
    %and3A_137 = vector.broadcast %and3A_136 : i32 to vector<512xi32>
    %and3A_138 = arith.andi %reduce_min3A_74, %and3A_137 : vector<512xi32>
    %mul3A_139 = arith.constant 128 : i32
    %mul3A_140 = vector.broadcast %mul3A_139 : i32 to vector<512xi32>
    %mul3A_141 = arith.muli %and3A_138, %mul3A_140 : vector<512xi32>
    %add3A_142 = arith.addi %mul3A_141, %reduce_min3A_82 : vector<512xi32>
    %and3A_143 = arith.constant -16 : i32
    %and3A_144 = vector.broadcast %and3A_143 : i32 to vector<512xi32>
    %and3A_145 = arith.andi %reduce_min3A_87, %and3A_144 : vector<512xi32>
    %lt3A_146 = arith.constant 0 : i32
    %lt3A_147 = vector.broadcast %lt3A_146 : i32 to vector<512xi32>
    %lt3A_148 = arith.cmpi slt, %and3A_145, %lt3A_147 : vector<512xi32>
    %xor3A_149 = arith.constant 2147483647 : i32
    %xor3A_150 = vector.broadcast %xor3A_149 : i32 to vector<512xi32>
    %xor3A_151 = arith.xori %and3A_145, %xor3A_150 : vector<512xi32>
    %select_n3A_152 = arith.select %lt3A_148, %xor3A_151, %and3A_145 : vector<512xi1>, vector<512xi32>
    %bitcast_convert_type3A_153 = tpu.bitcast %select_n3A_152 : vector<512xi32> -> vector<512xf32>
    %add3A_154 = arith.constant 9.99999993E-9 : f32
    %add3A_155 = vector.broadcast %add3A_154 : f32 to vector<512xf32>
    %add3A_156 = arith.addf %bitcast_convert_type3A_153, %add3A_155 : vector<512xf32>
    %div3A_157 = arith.constant 1.000000e+00 : f32
    %div3A_158 = vector.broadcast %div3A_157 : f32 to vector<512xf32>
    %div3A_159 = arith.divf %div3A_158, %add3A_156 : vector<512xf32>
    %and3A_160 = arith.constant 15 : i32
    %and3A_161 = vector.broadcast %and3A_160 : i32 to vector<512xi32>
    %and3A_162 = arith.andi %reduce_min3A_87, %and3A_161 : vector<512xi32>
    %mul3A_163 = arith.constant 128 : i32
    %mul3A_164 = vector.broadcast %mul3A_163 : i32 to vector<512xi32>
    %mul3A_165 = arith.muli %and3A_162, %mul3A_164 : vector<512xi32>
    %add3A_166 = arith.addi %mul3A_165, %reduce_min3A_95 : vector<512xi32>
    %add3A_167 = arith.addf %div3A_111, %div3A_135 : vector<512xf32>
    %add3A_168 = arith.addf %add3A_167, %div3A_159 : vector<512xf32>
    %iota3A_169 = tpu.iota {dimensions = array<i32: 1>} : vector<512x128xi32>
    %shift_right_arithmetic3A = arith.constant 4 : i32
    %shift_right_arithmetic3A_170 = vector.broadcast %shift_right_arithmetic3A : i32 to vector<512x128xi32>
    %shift_right_arithmetic3A_171 = arith.shrsi %iota3A_169, %shift_right_arithmetic3A_170 : vector<512x128xi32>
    %div3A_172 = arith.divf %div3A_111, %add3A_168 : vector<512xf32>
    %broadcast_in_dim3A_173 = vector.shape_cast %div3A_172 : vector<512xf32> to vector<512x1xf32>
    %div3A_174 = arith.divf %div3A_135, %add3A_168 : vector<512xf32>
    %broadcast_in_dim3A_175 = vector.shape_cast %div3A_174 : vector<512xf32> to vector<512x1xf32>
    %div3A_176 = arith.divf %div3A_159, %add3A_168 : vector<512xf32>
    %broadcast_in_dim3A_177 = vector.shape_cast %div3A_176 : vector<512xf32> to vector<512x1xf32>
    %eq3A_178 = arith.constant 0 : i32
    %eq3A_179 = vector.broadcast %eq3A_178 : i32 to vector<512x128xi32>
    %eq3A_180 = arith.cmpi eq, %shift_right_arithmetic3A_171, %eq3A_179 : vector<512x128xi32>
    %eq3A_181 = arith.constant 1 : i32
    %eq3A_182 = vector.broadcast %eq3A_181 : i32 to vector<512x128xi32>
    %eq3A_183 = arith.cmpi eq, %shift_right_arithmetic3A_171, %eq3A_182 : vector<512x128xi32>
    %eq3A_184 = arith.constant 2 : i32
    %eq3A_185 = vector.broadcast %eq3A_184 : i32 to vector<512x128xi32>
    %eq3A_186 = arith.cmpi eq, %shift_right_arithmetic3A_171, %eq3A_185 : vector<512x128xi32>
    %jit3A_187 = arith.constant 0.000000e+00 : f32
    %broadcast_in_dim3A_188 = vector.shape_cast %broadcast_in_dim3A_177 : vector<512x1xf32> to vector<512x1xf32>
    %broadcast_in_dim3A_189 = vector.broadcast %broadcast_in_dim3A_188 : vector<512x1xf32> to vector<512x128xf32>
    %broadcast_in_dim3A_190 = vector.broadcast %jit3A_187 : f32 to vector<512x128xf32>
    %select_n3A_191 = arith.select %eq3A_186, %broadcast_in_dim3A_189, %broadcast_in_dim3A_190 : vector<512x128xi1>, vector<512x128xf32>
    %broadcast_in_dim3A_192 = vector.shape_cast %broadcast_in_dim3A_175 : vector<512x1xf32> to vector<512x1xf32>
    %broadcast_in_dim3A_193 = vector.broadcast %broadcast_in_dim3A_192 : vector<512x1xf32> to vector<512x128xf32>
    %select_n3A_194 = arith.select %eq3A_183, %broadcast_in_dim3A_193, %select_n3A_191 : vector<512x128xi1>, vector<512x128xf32>
    %broadcast_in_dim3A_195 = vector.shape_cast %broadcast_in_dim3A_173 : vector<512x1xf32> to vector<512x1xf32>
    %broadcast_in_dim3A_196 = vector.broadcast %broadcast_in_dim3A_195 : vector<512x1xf32> to vector<512x128xf32>
    %select_n3A_197 = arith.select %eq3A_180, %broadcast_in_dim3A_196, %select_n3A_194 : vector<512x128xi1>, vector<512x128xf32>
    %convert_element_type3A = arith.sitofp %add3A_118 : vector<512xi32> to vector<512xf32>
    %broadcast_in_dim3A_198 = vector.shape_cast %convert_element_type3A : vector<512xf32> to vector<512x1xf32>
    %convert_element_type3A_199 = arith.sitofp %add3A_142 : vector<512xi32> to vector<512xf32>
    %broadcast_in_dim3A_200 = vector.shape_cast %convert_element_type3A_199 : vector<512xf32> to vector<512x1xf32>
    %convert_element_type3A_201 = arith.sitofp %add3A_166 : vector<512xi32> to vector<512xf32>
    %broadcast_in_dim3A_202 = vector.shape_cast %convert_element_type3A_201 : vector<512xf32> to vector<512x1xf32>
    %eq3A_203 = arith.constant 64 : i32
    %eq3A_204 = vector.broadcast %eq3A_203 : i32 to vector<512x128xi32>
    %eq3A_205 = arith.cmpi eq, %iota3A_169, %eq3A_204 : vector<512x128xi32>
    %eq3A_206 = arith.constant 65 : i32
    %eq3A_207 = vector.broadcast %eq3A_206 : i32 to vector<512x128xi32>
    %eq3A_208 = arith.cmpi eq, %iota3A_169, %eq3A_207 : vector<512x128xi32>
    %eq3A_209 = arith.constant 66 : i32
    %eq3A_210 = vector.broadcast %eq3A_209 : i32 to vector<512x128xi32>
    %eq3A_211 = arith.cmpi eq, %iota3A_169, %eq3A_210 : vector<512x128xi32>
    %broadcast_in_dim3A_212 = vector.shape_cast %broadcast_in_dim3A_202 : vector<512x1xf32> to vector<512x1xf32>
    %broadcast_in_dim3A_213 = vector.broadcast %broadcast_in_dim3A_212 : vector<512x1xf32> to vector<512x128xf32>
    %select_n3A_214 = arith.select %eq3A_211, %broadcast_in_dim3A_213, %select_n3A_197 : vector<512x128xi1>, vector<512x128xf32>
    %broadcast_in_dim3A_215 = vector.shape_cast %broadcast_in_dim3A_200 : vector<512x1xf32> to vector<512x1xf32>
    %broadcast_in_dim3A_216 = vector.broadcast %broadcast_in_dim3A_215 : vector<512x1xf32> to vector<512x128xf32>
    %select_n3A_217 = arith.select %eq3A_208, %broadcast_in_dim3A_216, %select_n3A_214 : vector<512x128xi1>, vector<512x128xf32>
    %broadcast_in_dim3A_218 = vector.shape_cast %broadcast_in_dim3A_198 : vector<512x1xf32> to vector<512x1xf32>
    %broadcast_in_dim3A_219 = vector.broadcast %broadcast_in_dim3A_218 : vector<512x1xf32> to vector<512x128xf32>
    %select_n3A_220 = arith.select %eq3A_205, %broadcast_in_dim3A_219, %select_n3A_217 : vector<512x128xi1>, vector<512x128xf32>
    %swap3A_221 = arith.constant 0 : index
    %swap3A_222 = arith.constant 0 : index
    %swap3A_223 = arith.constant 0 : index
    %swap3A_224 = vector.load %arg4[%swap3A_221, %swap3A_222, %swap3A_223] : memref<1x512x128xf32, #tpu.memory_space<vmem>>, vector<1x512x128xf32>
    %swap3A_225 = vector.shape_cast %swap3A_224 : vector<1x512x128xf32> to vector<512x128xf32>
    %swap3A_226 = vector.shape_cast %select_n3A_220 : vector<512x128xf32> to vector<1x512x128xf32>
    tpu.vector_store %arg4[%swap3A_221, %swap3A_222, %swap3A_223], %swap3A_226 {strides = array<i32>} : memref<1x512x128xf32, #tpu.memory_space<vmem>>, vector<1x512x128xf32>,
    return
  }
  func.func @transform_0(%arg0: i32, %arg1: i32) -> (i32, i32, i32) {
    %c0_i32 = arith.constant 0 : i32
    %c0_i32_0 = arith.constant 0 : i32
    return %arg0, %arg1, %c0_i32 : i32, i32, i32
  }
  func.func @transform_1(%arg0: i32, %arg1: i32) -> (i32, i32, i32) {
    %c0_i32 = arith.constant 0 : i32
    %c0_i32_0 = arith.constant 0 : i32
    %c0_i32_1 = arith.constant 0 : i32
    return %arg0, %c0_i32, %c0_i32_0 : i32, i32, i32
  }
  func.func @transform_2(%arg0: i32, %arg1: i32) -> (i32, i32, i32) {
    %c0_i32 = arith.constant 0 : i32
    %c0_i32_0 = arith.constant 0 : i32
    return %arg0, %arg1, %c0_i32 : i32, i32, i32
  }
}

module attributes {stable_mosaic.version = 14 : i64} {
  func.func @_mlp_body(%arg0: i32, %arg1: i32, %arg2: memref<1x512x128xf32, #tpu.memory_space<vmem>>, %arg3: memref<1x512x256xf32, #tpu.memory_space<vmem>>, %arg4: memref<128x256xf32, #tpu.memory_space<vmem>>, %arg5: memref<256x256xf32, #tpu.memory_space<vmem>>, %arg6: memref<1x256xf32, #tpu.memory_space<vmem>>, %arg7: memref<1x256xf32, #tpu.memory_space<vmem>>, %arg8: memref<1x256xf32, #tpu.memory_space<vmem>>, %arg9: memref<256x256xf32, #tpu.memory_space<vmem>>, %arg10: memref<1x256xf32, #tpu.memory_space<vmem>>, %arg11: memref<1x512x256xf32, #tpu.memory_space<vmem>>) attributes {dimension_semantics = [#tpu.dimension_semantics<arbitrary>, #tpu.dimension_semantics<arbitrary>], iteration_bounds = array<i64: 4, 16>, scalar_prefetch = 0 : i64, scratch_operands = 0 : i64, tpu.core_type = #tpu.core_type<tc>, window_params = [{transform_indices = @transform_0, window_bounds = array<i64: 1, 512, 128>}, {transform_indices = @transform_1, window_bounds = array<i64: 1, 512, 256>}, {pipeline_mode = #tpu.pipeline_mode<synchronous>, transform_indices = @transform_2, window_bounds = array<i64: 128, 256>}, {pipeline_mode = #tpu.pipeline_mode<synchronous>, transform_indices = @transform_3, window_bounds = array<i64: 256, 256>}, {pipeline_mode = #tpu.pipeline_mode<synchronous>, transform_indices = @transform_4, window_bounds = array<i64: 1, 256>}, {pipeline_mode = #tpu.pipeline_mode<synchronous>, transform_indices = @transform_5, window_bounds = array<i64: 1, 256>}, {pipeline_mode = #tpu.pipeline_mode<synchronous>, transform_indices = @transform_6, window_bounds = array<i64: 1, 256>}, {pipeline_mode = #tpu.pipeline_mode<synchronous>, transform_indices = @transform_7, window_bounds = array<i64: 256, 256>}, {pipeline_mode = #tpu.pipeline_mode<synchronous>, transform_indices = @transform_8, window_bounds = array<i64: 1, 256>}, {transform_indices = @transform_9, window_bounds = array<i64: 1, 512, 256>}]} {
    %get3A = arith.constant 0 : index
    %get3A_0 = arith.constant 0 : index
    %get3A_1 = arith.constant 0 : index
    %get3A_2 = vector.load %arg2[%get3A, %get3A_0, %get3A_1] : memref<1x512x128xf32, #tpu.memory_space<vmem>>, vector<1x512x128xf32>
    %get3A_3 = vector.shape_cast %get3A_2 : vector<1x512x128xf32> to vector<512x128xf32>
    %get3A_4 = arith.constant 0 : index
    %get3A_5 = arith.constant 0 : index
    %get3A_6 = vector.load %arg4[%get3A_4, %get3A_5] : memref<128x256xf32, #tpu.memory_space<vmem>>, vector<128x256xf32>
    %dot_general3A = arith.constant dense<0.000000e+00> : vector<512x256xf32>
    %dot_general3A_7 = tpu.matmul %get3A_3, %get3A_6, %dot_general3A {dimension_numbers = #tpu.dot_dimension_numbers<[1], [0], [0], [1], [0, 0, 1, 1], [], []>, transpose_lhs_hint = false} : vector<512x128xf32>, vector<128x256xf32>, vector<512x256xf32> -> vector<512x256xf32>
    %get3A_8 = arith.constant 0 : index
    %get3A_9 = arith.constant 0 : index
    %get3A_10 = arith.constant 0 : index
    %get3A_11 = vector.load %arg3[%get3A_8, %get3A_9, %get3A_10] : memref<1x512x256xf32, #tpu.memory_space<vmem>>, vector<1x512x256xf32>
    %get3A_12 = vector.shape_cast %get3A_11 : vector<1x512x256xf32> to vector<512x256xf32>
    %get3A_13 = arith.constant 0 : index
    %get3A_14 = arith.constant 0 : index
    %get3A_15 = vector.load %arg5[%get3A_13, %get3A_14] : memref<256x256xf32, #tpu.memory_space<vmem>>, vector<256x256xf32>
    %dot_general3A_16 = arith.constant dense<0.000000e+00> : vector<512x256xf32>
    %dot_general3A_17 = tpu.matmul %get3A_12, %get3A_15, %dot_general3A_16 {dimension_numbers = #tpu.dot_dimension_numbers<[1], [0], [0], [1], [0, 0, 1, 1], [], []>, transpose_lhs_hint = false} : vector<512x256xf32>, vector<256x256xf32>, vector<512x256xf32> -> vector<512x256xf32>
    %add3A = arith.addf %dot_general3A_7, %dot_general3A_17 : vector<512x256xf32>
    %get3A_18 = arith.constant 0 : index
    %get3A_19 = arith.constant 0 : index
    %get3A_20 = vector.load %arg6[%get3A_18, %get3A_19] : memref<1x256xf32, #tpu.memory_space<vmem>>, vector<1x256xf32>
    %add3A_21 = vector.broadcast %get3A_20 : vector<1x256xf32> to vector<512x256xf32>
    %add3A_22 = arith.addf %add3A, %add3A_21 : vector<512x256xf32>
    %reduce_sum3A = arith.constant dense<0.000000e+00> : vector<512xf32>
    %reduce_sum3A_23 = vector.multi_reduction <add>, %add3A_22, %reduce_sum3A [1] : vector<512x256xf32> to vector<512xf32>
    %broadcast_in_dim3A = vector.shape_cast %reduce_sum3A_23 : vector<512xf32> to vector<512x1xf32>
    %div3A = arith.constant 2.560000e+02 : f32
    %div3A_24 = vector.broadcast %div3A : f32 to vector<512x1xf32>
    %div3A_25 = arith.divf %broadcast_in_dim3A, %div3A_24 : vector<512x1xf32>
    %sub3A = vector.broadcast %div3A_25 : vector<512x1xf32> to vector<512x256xf32>
    %sub3A_26 = arith.subf %add3A_22, %sub3A : vector<512x256xf32>
    %mul3A = arith.mulf %sub3A_26, %sub3A_26 : vector<512x256xf32>
    %reduce_sum3A_27 = arith.constant dense<0.000000e+00> : vector<512xf32>
    %reduce_sum3A_28 = vector.multi_reduction <add>, %mul3A, %reduce_sum3A_27 [1] : vector<512x256xf32> to vector<512xf32>
    %broadcast_in_dim3A_29 = vector.shape_cast %reduce_sum3A_28 : vector<512xf32> to vector<512x1xf32>
    %div3A_30 = arith.constant 2.560000e+02 : f32
    %div3A_31 = vector.broadcast %div3A_30 : f32 to vector<512x1xf32>
    %div3A_32 = arith.divf %broadcast_in_dim3A_29, %div3A_31 : vector<512x1xf32>
    %add3A_33 = arith.constant 9.99999974E-6 : f32
    %add3A_34 = vector.broadcast %add3A_33 : f32 to vector<512x1xf32>
    %add3A_35 = arith.addf %div3A_32, %add3A_34 : vector<512x1xf32>
    %rsqrt3A = math.rsqrt %add3A_35 : vector<512x1xf32>
    %mul3A_36 = vector.broadcast %rsqrt3A : vector<512x1xf32> to vector<512x256xf32>
    %mul3A_37 = arith.mulf %sub3A_26, %mul3A_36 : vector<512x256xf32>
    %get3A_38 = arith.constant 0 : index
    %get3A_39 = arith.constant 0 : index
    %get3A_40 = vector.load %arg7[%get3A_38, %get3A_39] : memref<1x256xf32, #tpu.memory_space<vmem>>, vector<1x256xf32>
    %mul3A_41 = vector.broadcast %get3A_40 : vector<1x256xf32> to vector<512x256xf32>
    %mul3A_42 = arith.mulf %mul3A_37, %mul3A_41 : vector<512x256xf32>
    %get3A_43 = arith.constant 0 : index
    %get3A_44 = arith.constant 0 : index
    %get3A_45 = vector.load %arg8[%get3A_43, %get3A_44] : memref<1x256xf32, #tpu.memory_space<vmem>>, vector<1x256xf32>
    %add3A_46 = vector.broadcast %get3A_45 : vector<1x256xf32> to vector<512x256xf32>
    %add3A_47 = arith.addf %mul3A_42, %add3A_46 : vector<512x256xf32>
    %max3A = arith.constant 0.000000e+00 : f32
    %max3A_48 = vector.broadcast %max3A : f32 to vector<512x256xf32>
    %max3A_49 = arith.maximumf %add3A_47, %max3A_48 : vector<512x256xf32>
    %get3A_50 = arith.constant 0 : index
    %get3A_51 = arith.constant 0 : index
    %get3A_52 = vector.load %arg9[%get3A_50, %get3A_51] : memref<256x256xf32, #tpu.memory_space<vmem>>, vector<256x256xf32>
    %dot_general3A_53 = arith.constant dense<0.000000e+00> : vector<512x256xf32>
    %dot_general3A_54 = tpu.matmul %max3A_49, %get3A_52, %dot_general3A_53 {dimension_numbers = #tpu.dot_dimension_numbers<[1], [0], [0], [1], [0, 0, 1, 1], [], []>, transpose_lhs_hint = false} : vector<512x256xf32>, vector<256x256xf32>, vector<512x256xf32> -> vector<512x256xf32>
    %get3A_55 = arith.constant 0 : index
    %get3A_56 = arith.constant 0 : index
    %get3A_57 = vector.load %arg10[%get3A_55, %get3A_56] : memref<1x256xf32, #tpu.memory_space<vmem>>, vector<1x256xf32>
    %add3A_58 = vector.broadcast %get3A_57 : vector<1x256xf32> to vector<512x256xf32>
    %add3A_59 = arith.addf %dot_general3A_54, %add3A_58 : vector<512x256xf32>
    %swap3A = arith.constant 0 : index
    %swap3A_60 = arith.constant 0 : index
    %swap3A_61 = arith.constant 0 : index
    %swap3A_62 = vector.load %arg11[%swap3A, %swap3A_60, %swap3A_61] : memref<1x512x256xf32, #tpu.memory_space<vmem>>, vector<1x512x256xf32>
    %swap3A_63 = vector.shape_cast %swap3A_62 : vector<1x512x256xf32> to vector<512x256xf32>
    %swap3A_64 = vector.shape_cast %add3A_59 : vector<512x256xf32> to vector<1x512x256xf32>
    tpu.vector_store %arg11[%swap3A, %swap3A_60, %swap3A_61], %swap3A_64 {strides = array<i32>} : memref<1x512x256xf32, #tpu.memory_space<vmem>>, vector<1x512x256xf32>,
    return
  }
  func.func @transform_0(%arg0: i32, %arg1: i32) -> (i32, i32, i32) {
    %c0_i32 = arith.constant 0 : i32
    %c0_i32_0 = arith.constant 0 : i32
    return %arg0, %arg1, %c0_i32 : i32, i32, i32
  }
  func.func @transform_1(%arg0: i32, %arg1: i32) -> (i32, i32, i32) {
    %c0_i32 = arith.constant 0 : i32
    %c0_i32_0 = arith.constant 0 : i32
    return %arg0, %arg1, %c0_i32 : i32, i32, i32
  }
  func.func @transform_2(%arg0: i32, %arg1: i32) -> (i32, i32) {
    %c0_i32 = arith.constant 0 : i32
    %c0_i32_0 = arith.constant 0 : i32
    %c0_i32_1 = arith.constant 0 : i32
    return %c0_i32, %c0_i32_0 : i32, i32
  }
  func.func @transform_3(%arg0: i32, %arg1: i32) -> (i32, i32) {
    %c0_i32 = arith.constant 0 : i32
    %c0_i32_0 = arith.constant 0 : i32
    %c0_i32_1 = arith.constant 0 : i32
    return %c0_i32, %c0_i32_0 : i32, i32
  }
  func.func @transform_4(%arg0: i32, %arg1: i32) -> (i32, i32) {
    %c0_i32 = arith.constant 0 : i32
    %c0_i32_0 = arith.constant 0 : i32
    %c0_i32_1 = arith.constant 0 : i32
    return %c0_i32, %c0_i32_0 : i32, i32
  }
  func.func @transform_5(%arg0: i32, %arg1: i32) -> (i32, i32) {
    %c0_i32 = arith.constant 0 : i32
    %c0_i32_0 = arith.constant 0 : i32
    %c0_i32_1 = arith.constant 0 : i32
    return %c0_i32, %c0_i32_0 : i32, i32
  }
  func.func @transform_6(%arg0: i32, %arg1: i32) -> (i32, i32) {
    %c0_i32 = arith.constant 0 : i32
    %c0_i32_0 = arith.constant 0 : i32
    %c0_i32_1 = arith.constant 0 : i32
    return %c0_i32, %c0_i32_0 : i32, i32
  }
  func.func @transform_7(%arg0: i32, %arg1: i32) -> (i32, i32) {
    %c0_i32 = arith.constant 0 : i32
    %c0_i32_0 = arith.constant 0 : i32
    %c0_i32_1 = arith.constant 0 : i32
    return %c0_i32, %c0_i32_0 : i32, i32
  }
  func.func @transform_8(%arg0: i32, %arg1: i32) -> (i32, i32) {
    %c0_i32 = arith.constant 0 : i32
    %c0_i32_0 = arith.constant 0 : i32
    %c0_i32_1 = arith.constant 0 : i32
    return %c0_i32, %c0_i32_0 : i32, i32
  }
  func.func @transform_9(%arg0: i32, %arg1: i32) -> (i32, i32, i32) {
    %c0_i32 = arith.constant 0 : i32
    %c0_i32_0 = arith.constant 0 : i32
    return %arg0, %arg1, %c0_i32 : i32, i32, i32
  }
}

</mosaic_0001>

<sc_bundles>
// kernel: kernel.5.cloned.1.call-start
scs
__scs_entry_jumppad:
0x0: {  	(pc) =	sbr.rel $0x88, $3  }
0x1: {  	(tag) =	ssettag $0x0;
	lr =	simm.s32 $0x1  }
0x2: {  	[smem:$0x3F97] =	sst lr;
	_ =	strace $0xD0000000  }
0x3: {  	_ = 	snop  }
0x4: {  	_ = 	snop  }
0x5: {  	_ = 	snop  }
0x6: {  	_ = 	snop  }
0x7: {  	_ = 	snop  }
__scs_overlays_trampoline_lowered:
0x8: {  	[smem:$0x3FA6] =	sst s0  }
0x9: {  	[smem:$0x3FA7] =	sst s1  }
0xa: {  	[smem:$0x3FA8] =	sst s2  }
0xb: {  	[smem:$0x3FA9] =	sst s3  }
0xc: {  	[smem:$0x3FAA] =	sst s4  }
0xd: {  	[smem:$0x3FAB] =	sst s5  }
0xe: {  	[smem:$0x3FAC] =	sst s6  }
0xf: {  	[smem:$0x3FAD] =	sst s7  }
0x10: {  	[smem:$0x3FAE] =	sst s8  }
0x11: {  	[smem:$0x3FAF] =	sst s9;
	s0 =	simm.s32 @!p0 $0x0  }
0x12: {  	s1 =	sld [smem:$0x3F95];
	s0 =	simm.s32 @p0 $0x1  }
0x13: {  	[smem:$0x3FB0] =	sst s0;
	s0 =	simm.s32 @!p1 $0x0  }
0x14: {  	s2 =	sld [smem:$0x3F94];
	s0 =	simm.s32 @p1 $0x1  }
0x15: {  	[smem:$0x3FB1] =	sst s0;
	s0 =	simm.s32 @!p2 $0x0  }
0x16: {  	s3 =	sld [smem:$0x3FDB];
	s0 =	simm.s32 @p2 $0x1  }
0x17: {  	s4 =	simm.s32 $0x1BF5;
	[smem:$0x3FB3] =	sst s0  }
0x18: {  	s0 =	sld [smem:$0x3F96];
	_ =	swait.ge [sflag:s4], $0x0  }
0x19: {  	s7 =	sld [smem:$0x3F97]  }
0x1a: {  	s8 =	sadd.s32 $0xFFFFE003, lr  }
0x1b: {  	s9 =	sadd.s32 $0xFFFFFEF7, lr;
	s5 =	simm.s32 $0xFFFFFFFF;
	p2 =	slt.u32 s8, $0xFFFFF086  }
0x1c: {  	p1 =	slt.u32 s9, $0xF7A;
	s5 =	simm.s32 @!p2 $0x0  }
0x1d: {  	s5 =	simm.s32 @p1 $0x1;
	p0 =	seq.s32 s7, s2  }
0x1e: {  	s7 =	smul.u32 @!p0 $0xF7A, s2;
	p2 =	seq.s32 @!p0 s5, $0x0  }
0x1f: {  	s9 =	smul.u32 $0xF7A, s1;
	s8 =	simm.s32 @!p0 $0x1BF5;
	p2 =	por !p2, p0  }
0x20: {  	[sflag:s8] =	ssyncset.s32 @!p0 $0xFFFFF086;
	s6 =	sadd.s32 @!p0 s3, s7;
	s7 =	simm.s32 @!p0 $0x108  }
0x21: {  	s3 =	sadd.s32 s3, s9;
	s6 =	sadd.s32 @!p0 $0x88, s6;
	s7 =	simm.s32 @p2 $0x1082  }
0x22: {  	[simem:s7], [sflag:s8] =	dma.local @!p0 [hbm:s6], $0xF7A  }
0x23: {  	s9 =	sor.u32 $0xD0000000, s2;
	s6 =	simm.s32 $0x108;
	_ =	swait.ge @!p0 [sflag:s8], $0x0  }
0x24: {  	s3 =	sadd.s32 $0x88, s3;
	s6 =	simm.s32 @!p1 $0x1082;
	[sflag:s4] =	ssyncset.s32 $0xFFFFF086  }
0x25: {  	[simem:s6], [sflag:s4] =	dma.local [hbm:s3], $0xF7A  }
0x26: {  	[smem:$0x3F97] =	sst s1;
	(tag) =	ssettag s2;
	_ =	strace s9  }
0x27: {  	s1 =	sld [smem:$0x3FA7]  }
0x28: {  	s2 =	sld [smem:$0x3FA8]  }
0x29: {  	s4 =	sld [smem:$0x3FAA]  }
0x2a: {  	p0 =	seq.s32 s5, $0x0;
	s5 =	sld [smem:$0x3FAB]  }
0x2b: {  	s6 =	sld [smem:$0x3FAC]  }
0x2c: {  	s7 =	sld [smem:$0x3FAD]  }
0x2d: {  	s3 =	simm.s32 $0x108;
	s8 =	sld [smem:$0x3FAE]  }
0x2e: {  	s3 =	simm.s32 @!p0 $0x1082;
	s9 =	sld [smem:$0x3FAF]  }
0x2f: {  	lr =	sadd.s32 s0, s3;
	s0 =	sld [smem:$0x3FA6]  }
0x30: {  	s3 =	sld [smem:$0x3FA9]  }
0x31: {  	[smem:$0x3FB2] =	sst s10  }
0x32: {  	s10 =	sld [smem:$0x3FB0];
	_ =	sdelay $0x3  }
0x33: {  	p0 =	seq.s32 s10, $0x1;
	s10 =	sld [smem:$0x3FB2];
	_ =	sdelay $0x3  }
0x34: {  	[smem:$0x3FB2] =	sst s10  }
0x35: {  	s10 =	sld [smem:$0x3FB1];
	_ =	sdelay $0x3  }
0x36: {  	p1 =	seq.s32 s10, $0x1;
	s10 =	sld [smem:$0x3FB2];
	_ =	sdelay $0x3  }
0x37: {  	[smem:$0x3FB2] =	sst s10  }
0x38: {  	s10 =	sld [smem:$0x3FB3]  }
0x39: {  	_ = 	snop;
	(pc) =	sbr.ind lr, $3  }
0x3a: {  	_ = 	snop  }
0x3b: {  	_ = 	snop  }
0x3c: {  	p2 =	seq.s32 s10, $0x1;
	s10 =	sld [smem:$0x3FB2]  }
0x3d: {  	_ =	shalt  }
0x3e: {  	_ =	shalt  }
0x3f: {  	_ =	shalt  }
0x40: {  	_ =	shalt  }
0x41: {  	_ =	shalt  }
0x42: {  	_ =	shalt  }
0x43: {  	_ =	shalt  }
0x44: {  	_ =	shalt  }
0x45: {  	_ =	shalt  }
0x46: {  	_ =	shalt  }
0x47: {  	_ =	shalt  }
0x48: {  	_ =	shalt  }
0x49: {  	_ =	shalt  }
0x4a: {  	_ =	shalt  }
0x4b: {  	_ =	shalt  }
0x4c: {  	_ =	shalt  }
0x4d: {  	_ =	shalt  }
0x4e: {  	_ =	shalt  }
0x4f: {  	_ =	shalt  }
0x50: {  	_ =	shalt  }
0x51: {  	_ =	shalt  }
0x52: {  	_ =	shalt  }
0x53: {  	_ =	shalt  }
0x54: {  	_ =	shalt  }
0x55: {  	_ =	shalt  }
0x56: {  	_ =	shalt  }
0x57: {  	_ =	shalt  }
0x58: {  	_ =	shalt  }
0x59: {  	_ =	shalt  }
0x5a: {  	_ =	shalt  }
0x5b: {  	_ =	shalt  }
0x5c: {  	_ =	shalt  }
0x5d: {  	_ =	shalt  }
0x5e: {  	_ =	shalt  }
0x5f: {  	_ =	shalt  }
0x60: {  	_ =	shalt  }
0x61: {  	_ =	shalt  }
0x62: {  	_ =	shalt  }
0x63: {  	_ =	shalt  }
0x64: {  	_ =	shalt  }
0x65: {  	_ =	shalt  }
0x66: {  	_ =	shalt  }
0x67: {  	_ =	shalt  }
0x68: {  	_ =	shalt  }
0x69: {  	_ =	shalt  }
0x6a: {  	_ =	shalt  }
0x6b: {  	_ =	shalt  }
0x6c: {  	_ =	shalt  }
0x6d: {  	_ =	shalt  }
0x6e: {  	_ =	shalt  }
0x6f: {  	_ =	shalt  }
0x70: {  	_ =	shalt  }
0x71: {  	_ =	shalt  }
0x72: {  	_ =	shalt  }
0x73: {  	_ =	shalt  }
0x74: {  	_ =	shalt  }
0x75: {  	_ =	shalt  }
0x76: {  	_ =	shalt  }
0x77: {  	_ =	shalt  }
0x78: {  	_ =	shalt  }
0x79: {  	_ =	shalt  }
0x7a: {  	_ =	shalt  }
0x7b: {  	_ =	shalt  }
0x7c: {  	_ =	shalt  }
0x7d: {  	_ =	shalt  }
0x7e: {  	_ =	shalt  }
0x7f: {  	_ =	shalt  }
0x80: {  	_ =	shalt  }
0x81: {  	_ =	shalt  }
0x82: {  	_ =	shalt  }
0x83: {  	_ =	shalt  }
0x84: {  	_ =	shalt  }
0x85: {  	_ =	shalt  }
0x86: {  	_ =	shalt  }
0x87: {  	_ =	shalt  }
.Lfunc_end0:
.L_simem_size_0:
called_computation_lowered:
.L_overlay_start_0:
0x88: {  	s2 =	sld [smem:$0x3FD9]  }
0x89: {  	s3 =	sld [smem:$0x3FFE];
	_ =	sdelay $0x1  }
0x8a: {  	s1 =	srdreg.scid  }
0x8b: {  	s0 =	sand.u32 $0x1, s1  }
0x8c: {  	s17 =	sshll.u32 s0, $0xA;
	s2 =	sadd.s32 s3, s2  }
0x8d: {  	s2 =	sadd.s32 s2, s17  }
0x8e: {  	[smem:$0x3FBE] =	sst s2  }
0x8f: {  	_ = 	snop  }
0x90: {  	s2 =	sld [smem:$0x3FC6]  }
0x91: {  	s18 =	sld [smem:$0x3FD0];
	(tm) =	ssettm $0x1  }
0x92: {  	s4 =	sld [smem:$0x3FFB];
	_ =	sdelay $0x3  }
0x93: {  	_ =	strace s4  }
0x94: {  	s4 =	sld [smem:$0x3FFC];
	_ =	sdelay $0x3  }
0x95: {  	_ =	strace s4  }
0x96: {  	s4 =	sld [smem:$0x3FFD];
	_ =	sdelay $0x3  }
0x97: {  	_ =	strace s4  }
0x98: {  	_ =	strace $0x8FFFFFFF  }
0x99: {  	s19 =	sld [smem:$0x3FDB];
	_ =	sdelay $0x1  }
0x9a: {  	s5 =	simm.s32 $_scs_section_size  }
0x9b: {  	s6 =	simm.s32 $_size__tile_overlayer_lowered;
	s7 =	simm.s32 $_tile_overlayer_lowered  }
0x9c: {  	s22 =	simm.s32 $0x1BFF;
	s21 =	sshll.u32 s7, $0x1;
	s4 =	sadd.s32 s5, s19  }
0x9d: {  	s8 =	simm.s32 $0x0;
	s20 =	sshll.u32 s6, $0x1;
	s6 =	sadd.s32 s21, s4  }
0x9e: {  	[timem:s8], [sflag:s22] =	dma.local [hbm:s6], s20  }
0x9f: {  	_ =	swait.ge [sflag:s22], s20  }
0xa0: {  	s5 =	ssub.s32 $0x0, s20;
	[sflag:s22] =	ssyncset.done $0x0  }
0xa1: {  	[sflag:s22] =	ssyncadd.s32 s5;
	_ =	sdelay $0x1  }
0xa2: {  	s23 =	simm.s32 $0x1B8B  }
0xa3: {  	_ =	swait.ge [sflag:s23], $0x1  }
0xa4: {  	[sflag:s23] =	ssyncset.done $0x0  }
0xa5: {  	s25 =	simm.s32 $0x1B8E;
	s24 =	sld [smem:$0x3FFE];
	[sflag:s23] =	ssyncadd.s32 $0xFFFFFFFF  }
0xa6: {  	s26 =	simm.s32 $execute0_lowered;
	[smem:$0x3FD2] =	sst s25  }
0xa7: {  	s6 =	sshll.u32 s26, $0x1;
	_ =	strace $0x80000046;
	[dreg:$0x1] =	wrdreg $0xFFFFFFFF  }
0xa8: {  	s28 =	simm.s32 $_size_execute0_lowered;
	s4 =	sadd.s32 s4, s6;
	[dreg:$0x0] =	wrdreg $0x0  }
0xa9: {  	s6 =	sshll.u32 s28, $0x1;
	[dreg:$0x2] =	wrdreg s4  }
0xaa: {  	[dreg:$0x3] =	wrdreg s6  }
0xab: {  	[dreg:$0x4] =	wrdreg $0xC0  }
0xac: {  	_ =	task [dreg:s8], $0x5FFFF  }
0xad: {  	[dreg:$0x1] =	wrdreg $0xFFFFFFFF  }
0xae: {  	[dreg:$0x0] =	wrdreg $0x60  }
0xaf: {  	[dreg:$0x2] =	wrdreg s2  }
0xb0: {  	[dreg:$0x3] =	wrdreg s24  }
0xb1: {  	[dreg:$0x4] =	wrdreg s18  }
0xb2: {  	[dreg:$0x5] =	wrdreg $0x9  }
0xb3: {  	_ =	task.clear_ibuf [dreg:s8], $0x6FFFF;
	_ =	strace $0x90000046  }
0xb4: {  	s29 =	simm.s32 $0x9;
	_ =	strace $0x80000048  }
0xb5: {  	_ =	swait.ge [sflag:s29], $0x1  }
0xb6: {  	[sflag:s29] =	ssyncadd.s32 $0xFFFFFFFF  }
0xb7: {  	_ =	strace $0x90000048  }
0xb8: {  	_ =	sfence  }
0xb9: {  	s30 =	sld [smem:$0x0];
	_ =	sdelay $0x2  }
0xba: {  	s31 =	sshll.u32 s1, $0xD;
	s1 =	sshrl.u32 s1, $0x2  }
0xbb: {  	s3 =	sand.u32 $0x4000, s31;
	s1 =	sadd.s32 s1, s30  }
0xbc: {  	s0 =	sor.u32 s3, s0;
	s1 =	sshll.u32 s1, $0x11  }
0xbd: {  	s0 =	sor.u32 s1, s0  }
0xbe: {  	s0 =	sadd.s32 $0x8F2B, s0  }
0xbf: {  	[sflag:s0] =	ssyncadd.remote.s32 $0x1  }
0xc0: {  	_ =	sfence.sel $0xFFFF  }
0xc1: {  	[dreg:$0x0] =	wrdreg $0xFFFFFFFF;
	(pc) =	sbr.abs _section_cstart, $3  }
0xc2: {  	[dreg:$0x1] =	wrdreg $0xFFFFFFFF  }
0xc3: {  	_ =	task.clear_ibuf [dreg:s8], $0x2FFFF;
	_ =	strace $0x9FFFFFFF  }
0xc4: {  	(tm) =	ssettm $0x7FFFFFFF  }
0xc5: {  	_ =	shalt  }
tec
execute0_lowered:
.L_overlay_start_1:
0x0: {  	(tag) =	ssettag $0x1  }
0x1: {  	s1 =	rddreg [dreg:$0x0]  }
0x2: {  	s0 =	rddreg [dreg:$0x1]  }
0x3: {  	s2 =	rddreg [dreg:$0x2];
	s4 =	simm.s32 $0x0  }
0x4: {  	s3 =	srdreg.scid;
	s7 =	stileid.u32;
	s9 =	simm.s32 $0x2  }
0x5: {  	s22 =	simm.s32 $0x5D80;
	s23 =	simm.s32 $0x6580;
	s24 =	simm.s32 $0x6D80  }
0x6: {  	s28 =	simm.s32 $0x8580;
	s29 =	simm.s32 $0x8D80;
	s30 =	simm.s32 $0x9580  }
0x7: {  	s31 =	simm.s32 $0x9D80;
	s8 =	simm.s32 $0xB580;
	s10 =	simm.s32 $0xC580  }
0x8: {  	s11 =	simm.s32 $0x1;
	s12 =	simm.s32 $0xCD80;
	s14 =	simm.s32 $0x0  }
0x9: {  	[smem:$0x7FF] =	sst s4;
	s3 =	sand.u32 $0x1, s3;
	s5 =	sadd.s32 $0x2000, s0  }
0xa: {  	s7 =	sshll.u32 s7, $0xB;
	s25 =	ssub.s32 $0x2, s3;
	s3 =	sshll.u32 s3, $0xA  }
0xb: {  	_ =	strace $0x80000047;
	s6 =	sshrl.u32 s25, $0x1;
	s7 =	sor.u32 s3, s7  }
0xc: {  	v2 =	vlaneseq.u32;
	s3 =	simm.s32 $0xBD80;
	s4 =	ssub.s32 s25, s6;
	s6 =	sadd.s32 $0x5000, s0  }
0xd: {  	vm0 =	vmmov $0xffff;
	v1 =	vshrl.u32 v2, $0x3;
	s25 =	simm.s32 $0x7580;
	s0 =	simm.s32 $0xA580;
	s26 =	smax.u32 s4, $0x1  }
0xe: {  	v0 =	vand.u32 $0x7, v2;
	v2 =	vor.u32 $0x8, v2;
	v1 =	vmul.u32 $0x8, v1;
	s4 =	simm.s32 $0xAD80;
	[dreg:$0x4] =	wrdreg s26;
	s26 =	simm.s32 $0x7D80  }
.LBB2_1:
0xf: {  	[dreg:$0x5] =	wrdreg s14;
	s13 =	simm.s32 $0x0  }
.LBB2_2:
0x10: {  	s14 =	sshll.u32 s13, $0x6  }
0x11: {  	s14 =	sadd.s32 s7, s14  }
0x12: {  	s15 =	sshrl.u32 s14, $0x3  }
0x13: {  	s16 =	sadd.s32 s5, s15;
	s15 =	simm.s32 $0x0  }
0x14: {  	[tilespmem:s15], [sflag:$0x2] =	stream.linear.gather [hbm4b:s16+s15], $0x40, $0x38;
	[tilespmem:$0x10D80] =	vst v63  }
0x15: {  	_ =	swait.ge [sflag:s9], $0x40  }
0x16: {  	s20 =	sshll.u32 s14, $0x1;
	[sflag:s9] =	ssyncset.done $0x0  }
0x17: {  	s17 =	sadd.s32 s2, s20;
	s16 =	simm.s32 $0x180;
	[sflag:s9] =	ssyncadd.s32 $0xFFFFFFC0  }
0x18: {  	[tilespmem:s16], [sflag:$0x2] =	stream.linear.gather [hbm4b:s17+s15], $0x400, $0x38;
	[tilespmem:$0x10D80] =	vst v63  }
0x19: {  	s21 =	sor.u32 $0x8000, s14;
	_ =	swait.ge [sflag:s9], $0x400  }
0x1a: {  	s18 =	sshrl.u32 s21, $0x3;
	[sflag:s9] =	ssyncset.done $0x0  }
0x1b: {  	s19 =	simm.s32 $0x80;
	s18 =	sadd.s32 s5, s18;
	[sflag:s9] =	ssyncadd.s32 $0xFFFFFC00  }
0x1c: {  	[tilespmem:s19], [sflag:$0x2] =	stream.linear.gather [hbm4b:s18+s15], $0x40, $0x38;
	[tilespmem:$0x10D80] =	vst v63  }
0x1d: {  	_ =	swait.ge [sflag:s9], $0x40  }
0x1e: {  	s17 =	sshll.u32 s21, $0x1;
	[sflag:s9] =	ssyncset.done $0x0  }
0x1f: {  	s20 =	sadd.s32 s2, s17;
	s17 =	simm.s32 $0x580;
	[sflag:s9] =	ssyncadd.s32 $0xFFFFFFC0  }
0x20: {  	[tilespmem:s17], [sflag:$0x2] =	stream.linear.gather [hbm4b:s20+s15], $0x400, $0x38;
	[tilespmem:$0x10D80] =	vst v63  }
0x21: {  	s21 =	sor.u32 $0x10000, s14;
	_ =	swait.ge [sflag:s9], $0x400  }
0x22: {  	s20 =	sshrl.u32 s21, $0x3;
	[sflag:s9] =	ssyncset.done $0x0  }
0x23: {  	s19 =	sadd.s32 s5, s20;
	s20 =	simm.s32 $0x100;
	[sflag:s9] =	ssyncadd.s32 $0xFFFFFC00  }
0x24: {  	[tilespmem:s20], [sflag:$0x2] =	stream.linear.gather [hbm4b:s19+s15], $0x40, $0x38;
	[tilespmem:$0x10D80] =	vst v63  }
0x25: {  	_ =	swait.ge [sflag:s9], $0x40  }
0x26: {  	s18 =	sshll.u32 s21, $0x1;
	[sflag:s9] =	ssyncset.done $0x0  }
0x27: {  	s21 =	sadd.s32 s2, s18;
	s18 =	simm.s32 $0x980;
	[sflag:s9] =	ssyncadd.s32 $0xFFFFFFC0  }
0x28: {  	[tilespmem:s18], [sflag:$0x2] =	stream.linear.gather [hbm4b:s21+s15], $0x400, $0x38;
	[tilespmem:$0x10D80] =	vst v63  }
0x29: {  	_ =	swait.ge [sflag:s9], $0x400  }
0x2a: {  	[sflag:s9] =	ssyncset.done $0x0  }
0x2b: {  	[sflag:s9] =	ssyncadd.s32 $0xFFFFFC00  }
0x2c: {  	v3 =	vld [tilespmem:$0x0];
	_ =	sdelay $0x4  }
0x2d: {  	v4 =	vshll.u32 v3, $0x1  }
0x2e: {  	v3 =	vand.u32 $0x7, v3;
	v4 =	vand.u32 $0xFFFFFFF0, v4  }
0x2f: {  	v3 =	vor.u32 v3, v4  }
0x30: {  	v4 =	vperm.xlane v3, v0;
	_ =	sdelay $0x1  }
0x31: {  	v3 =	vperm.xlane v3, v2;
	v4 =	vadd.s32 v1, v4;
	_ =	sdelay $0x1  }
0x32: {  	v3 =	vadd.s32 v1, v3;
	_ =	sdelay $0x1  }
0x33: {  	s20 =	simm.s32 $0xD80  }
0x34: {  	[tilespmem:s20], [sflag:$0x1] =	stream.indirect_vreg.gather [hbm4b:s1+s15], $0x80, v4, vm0, $0xb8;
	[tilespmem:$0x10D80] =	vst v63  }
0x35: {  	s21 =	simm.s32 $0x1580  }
0x36: {  	[tilespmem:s21], [sflag:$0x1] =	stream.indirect_vreg.gather [hbm4b:s1+s15], $0x80, v3, vm0, $0xb8;
	[tilespmem:$0x10D80] =	vst v63  }
0x37: {  	v3 =	vld [tilespmem:$0x10];
	_ =	sdelay $0x4  }
0x38: {  	v53 =	vshll.u32 v3, $0x1  }
0x39: {  	v3 =	vand.u32 $0x7, v3;
	v4 =	vand.u32 $0xFFFFFFF0, v53  }
0x3a: {  	v3 =	vor.u32 v3, v4  }
0x3b: {  	v4 =	vperm.xlane v3, v0;
	_ =	sdelay $0x1  }
0x3c: {  	v3 =	vperm.xlane v3, v2;
	v4 =	vadd.s32 v1, v4;
	_ =	sdelay $0x1  }
0x3d: {  	v3 =	vadd.s32 v1, v3;
	_ =	sdelay $0x1  }
0x3e: {  	s20 =	simm.s32 $0x1D80  }
0x3f: {  	[tilespmem:s20], [sflag:$0x1] =	stream.indirect_vreg.gather [hbm4b:s1+s15], $0x80, v4, vm0, $0xb8;
	[tilespmem:$0x10D80] =	vst v63  }
0x40: {  	s21 =	simm.s32 $0x2580  }
0x41: {  	[tilespmem:s21], [sflag:$0x1] =	stream.indirect_vreg.gather [hbm4b:s1+s15], $0x80, v3, vm0, $0xb8;
	[tilespmem:$0x10D80] =	vst v63  }
0x42: {  	v3 =	vld [tilespmem:$0x20];
	_ =	sdelay $0x4  }
0x43: {  	v54 =	vshll.u32 v3, $0x1  }
0x44: {  	v3 =	vand.u32 $0x7, v3;
	v4 =	vand.u32 $0xFFFFFFF0, v54  }
0x45: {  	v3 =	vor.u32 v3, v4  }
0x46: {  	v4 =	vperm.xlane v3, v0;
	_ =	sdelay $0x1  }
0x47: {  	v3 =	vperm.xlane v3, v2;
	v4 =	vadd.s32 v1, v4;
	_ =	sdelay $0x1  }
0x48: {  	v3 =	vadd.s32 v1, v3;
	_ =	sdelay $0x1  }
0x49: {  	s20 =	simm.s32 $0x2D80  }
0x4a: {  	[tilespmem:s20], [sflag:$0x1] =	stream.indirect_vreg.gather [hbm4b:s1+s15], $0x80, v4, vm0, $0xb8;
	[tilespmem:$0x10D80] =	vst v63  }
0x4b: {  	s21 =	simm.s32 $0x3580  }
0x4c: {  	[tilespmem:s21], [sflag:$0x1] =	stream.indirect_vreg.gather [hbm4b:s1+s15], $0x80, v3, vm0, $0xb8;
	[tilespmem:$0x10D80] =	vst v63  }
0x4d: {  	v3 =	vld [tilespmem:$0x30];
	_ =	sdelay $0x4  }
0x4e: {  	v55 =	vshll.u32 v3, $0x1  }
0x4f: {  	v3 =	vand.u32 $0x7, v3;
	v4 =	vand.u32 $0xFFFFFFF0, v55  }
0x50: {  	v3 =	vor.u32 v3, v4  }
0x51: {  	v4 =	vperm.xlane v3, v0;
	_ =	sdelay $0x1  }
0x52: {  	v3 =	vperm.xlane v3, v2;
	v4 =	vadd.s32 v1, v4;
	_ =	sdelay $0x1  }
0x53: {  	v3 =	vadd.s32 v1, v3;
	_ =	sdelay $0x1  }
0x54: {  	s20 =	simm.s32 $0x3D80  }
0x55: {  	[tilespmem:s20], [sflag:$0x1] =	stream.indirect_vreg.gather [hbm4b:s1+s15], $0x80, v4, vm0, $0xb8;
	[tilespmem:$0x10D80] =	vst v63  }
0x56: {  	s21 =	simm.s32 $0x4580  }
0x57: {  	[tilespmem:s21], [sflag:$0x1] =	stream.indirect_vreg.gather [hbm4b:s1+s15], $0x80, v3, vm0, $0xb8;
	[tilespmem:$0x10D80] =	vst v63  }
0x58: {  	v3 =	vld [tilespmem:$0x80];
	_ =	sdelay $0x4  }
0x59: {  	v56 =	vshll.u32 v3, $0x1  }
0x5a: {  	v3 =	vand.u32 $0x7, v3;
	v4 =	vand.u32 $0xFFFFFFF0, v56  }
0x5b: {  	v3 =	vor.u32 v3, v4  }
0x5c: {  	v4 =	vperm.xlane v3, v0;
	_ =	sdelay $0x1  }
0x5d: {  	v3 =	vperm.xlane v3, v2;
	v4 =	vadd.s32 v1, v4;
	_ =	sdelay $0x1  }
0x5e: {  	v3 =	vadd.s32 v1, v3;
	_ =	sdelay $0x1  }
0x5f: {  	s20 =	simm.s32 $0x4D80  }
0x60: {  	[tilespmem:s20], [sflag:$0x1] =	stream.indirect_vreg.gather [hbm4b:s1+s15], $0x80, v4, vm0, $0xb8;
	[tilespmem:$0x10D80] =	vst v63  }
0x61: {  	s21 =	simm.s32 $0x5580  }
0x62: {  	[tilespmem:s21], [sflag:$0x1] =	stream.indirect_vreg.gather [hbm4b:s1+s15], $0x80, v3, vm0, $0xb8;
	[tilespmem:$0x10D80] =	vst v63  }
0x63: {  	v3 =	vld [tilespmem:$0x90];
	_ =	sdelay $0x4  }
0x64: {  	v57 =	vshll.u32 v3, $0x1  }
0x65: {  	v3 =	vand.u32 $0x7, v3;
	v4 =	vand.u32 $0xFFFFFFF0, v57  }
0x66: {  	v3 =	vor.u32 v3, v4  }
0x67: {  	v4 =	vperm.xlane v3, v0;
	_ =	sdelay $0x1  }
0x68: {  	v3 =	vperm.xlane v3, v2;
	v4 =	vadd.s32 v1, v4;
	_ =	sdelay $0x1  }
0x69: {  	v3 =	vadd.s32 v1, v3;
	_ =	sdelay $0x2  }
0x6a: {  	[tilespmem:s22], [sflag:$0x1] =	stream.indirect_vreg.gather [hbm4b:s1+s15], $0x80, v4, vm0, $0xb8;
	[tilespmem:$0x10D80] =	vst v63  }
0x6b: {  	_ = 	snop  }
0x6c: {  	[tilespmem:s23], [sflag:$0x1] =	stream.indirect_vreg.gather [hbm4b:s1+s15], $0x80, v3, vm0, $0xb8;
	[tilespmem:$0x10D80] =	vst v63  }
0x6d: {  	v3 =	vld [tilespmem:$0xA0];
	_ =	sdelay $0x4  }
0x6e: {  	v58 =	vshll.u32 v3, $0x1  }
0x6f: {  	v3 =	vand.u32 $0x7, v3;
	v4 =	vand.u32 $0xFFFFFFF0, v58  }
0x70: {  	v3 =	vor.u32 v3, v4  }
0x71: {  	v4 =	vperm.xlane v3, v0;
	_ =	sdelay $0x1  }
0x72: {  	v3 =	vperm.xlane v3, v2;
	v4 =	vadd.s32 v1, v4;
	_ =	sdelay $0x1  }
0x73: {  	v3 =	vadd.s32 v1, v3;
	_ =	sdelay $0x2  }
0x74: {  	[tilespmem:s24], [sflag:$0x1] =	stream.indirect_vreg.gather [hbm4b:s1+s15], $0x80, v4, vm0, $0xb8;
	[tilespmem:$0x10D80] =	vst v63  }
0x75: {  	_ = 	snop  }
0x76: {  	[tilespmem:s25], [sflag:$0x1] =	stream.indirect_vreg.gather [hbm4b:s1+s15], $0x80, v3, vm0, $0xb8;
	[tilespmem:$0x10D80] =	vst v63  }
0x77: {  	v3 =	vld [tilespmem:$0xB0];
	_ =	sdelay $0x4  }
0x78: {  	v59 =	vshll.u32 v3, $0x1  }
0x79: {  	v3 =	vand.u32 $0x7, v3;
	v4 =	vand.u32 $0xFFFFFFF0, v59  }
0x7a: {  	v3 =	vor.u32 v3, v4  }
0x7b: {  	v4 =	vperm.xlane v3, v0;
	_ =	sdelay $0x1  }
0x7c: {  	v3 =	vperm.xlane v3, v2;
	v4 =	vadd.s32 v1, v4;
	_ =	sdelay $0x1  }
0x7d: {  	v3 =	vadd.s32 v1, v3;
	_ =	sdelay $0x2  }
0x7e: {  	[tilespmem:s26], [sflag:$0x1] =	stream.indirect_vreg.gather [hbm4b:s1+s15], $0x80, v4, vm0, $0xb8;
	[tilespmem:$0x10D80] =	vst v63  }
0x7f: {  	_ = 	snop  }
0x80: {  	[tilespmem:s28], [sflag:$0x1] =	stream.indirect_vreg.gather [hbm4b:s1+s15], $0x80, v3, vm0, $0xb8;
	[tilespmem:$0x10D80] =	vst v63  }
0x81: {  	v3 =	vld [tilespmem:$0x100];
	_ =	sdelay $0x4  }
0x82: {  	v60 =	vshll.u32 v3, $0x1  }
0x83: {  	v3 =	vand.u32 $0x7, v3;
	v4 =	vand.u32 $0xFFFFFFF0, v60  }
0x84: {  	v3 =	vor.u32 v3, v4  }
0x85: {  	v4 =	vperm.xlane v3, v0;
	_ =	sdelay $0x1  }
0x86: {  	v3 =	vperm.xlane v3, v2;
	v4 =	vadd.s32 v1, v4;
	_ =	sdelay $0x1  }
0x87: {  	v3 =	vadd.s32 v1, v3;
	_ =	sdelay $0x2  }
0x88: {  	[tilespmem:s29], [sflag:$0x1] =	stream.indirect_vreg.gather [hbm4b:s1+s15], $0x80, v4, vm0, $0xb8;
	[tilespmem:$0x10D80] =	vst v63  }
0x89: {  	_ = 	snop  }
0x8a: {  	[tilespmem:s30], [sflag:$0x1] =	stream.indirect_vreg.gather [hbm4b:s1+s15], $0x80, v3, vm0, $0xb8;
	[tilespmem:$0x10D80] =	vst v63  }
0x8b: {  	v3 =	vld [tilespmem:$0x110];
	_ =	sdelay $0x4  }
0x8c: {  	v61 =	vshll.u32 v3, $0x1  }
0x8d: {  	v3 =	vand.u32 $0x7, v3;
	v4 =	vand.u32 $0xFFFFFFF0, v61  }
0x8e: {  	v3 =	vor.u32 v3, v4  }
0x8f: {  	v4 =	vperm.xlane v3, v0;
	_ =	sdelay $0x1  }
0x90: {  	v3 =	vperm.xlane v3, v2;
	v4 =	vadd.s32 v1, v4;
	_ =	sdelay $0x1  }
0x91: {  	v3 =	vadd.s32 v1, v3;
	_ =	sdelay $0x2  }
0x92: {  	[tilespmem:s31], [sflag:$0x1] =	stream.indirect_vreg.gather [hbm4b:s1+s15], $0x80, v4, vm0, $0xb8;
	[tilespmem:$0x10D80] =	vst v63  }
0x93: {  	_ = 	snop  }
0x94: {  	[tilespmem:s0], [sflag:$0x1] =	stream.indirect_vreg.gather [hbm4b:s1+s15], $0x80, v3, vm0, $0xb8;
	[tilespmem:$0x10D80] =	vst v63  }
0x95: {  	v3 =	vld [tilespmem:$0x120];
	_ =	sdelay $0x4  }
0x96: {  	v62 =	vshll.u32 v3, $0x1  }
0x97: {  	v3 =	vand.u32 $0x7, v3;
	v4 =	vand.u32 $0xFFFFFFF0, v62  }
0x98: {  	v3 =	vor.u32 v3, v4  }
0x99: {  	v4 =	vperm.xlane v3, v0;
	_ =	sdelay $0x1  }
0x9a: {  	v3 =	vperm.xlane v3, v2;
	v4 =	vadd.s32 v1, v4;
	_ =	sdelay $0x1  }
0x9b: {  	v3 =	vadd.s32 v1, v3;
	_ =	sdelay $0x2  }
0x9c: {  	[tilespmem:s4], [sflag:$0x1] =	stream.indirect_vreg.gather [hbm4b:s1+s15], $0x80, v4, vm0, $0xb8;
	[tilespmem:$0x10D80] =	vst v63  }
0x9d: {  	_ = 	snop  }
0x9e: {  	[tilespmem:s8], [sflag:$0x1] =	stream.indirect_vreg.gather [hbm4b:s1+s15], $0x80, v3, vm0, $0xb8;
	[tilespmem:$0x10D80] =	vst v63  }
0x9f: {  	v3 =	vld [tilespmem:$0x130];
	_ =	sdelay $0x4  }
0xa0: {  	v63 =	vshll.u32 v3, $0x1  }
0xa1: {  	v3 =	vand.u32 $0x7, v3;
	v4 =	vand.u32 $0xFFFFFFF0, v63  }
0xa2: {  	v3 =	vor.u32 v3, v4  }
0xa3: {  	v4 =	vperm.xlane v3, v0;
	_ =	sdelay $0x1  }
0xa4: {  	v3 =	vperm.xlane v3, v2;
	v4 =	vadd.s32 v1, v4;
	_ =	sdelay $0x1  }
0xa5: {  	v3 =	vadd.s32 v1, v3;
	_ =	sdelay $0x2  }
0xa6: {  	[tilespmem:s3], [sflag:$0x1] =	stream.indirect_vreg.gather [hbm4b:s1+s15], $0x80, v4, vm0, $0xb8;
	[tilespmem:$0x10D80] =	vst v63  }
0xa7: {  	_ = 	snop  }
0xa8: {  	[tilespmem:s10], [sflag:$0x1] =	stream.indirect_vreg.gather [hbm4b:s1+s15], $0x80, v3, vm0, $0xb8;
	[tilespmem:$0x10D80] =	vst v63  }
0xa9: {  	_ =	swait.ge [sflag:s11], $0x4000  }
0xaa: {  	[sflag:s11] =	ssyncset.done $0x0  }
0xab: {  	[sflag:s11] =	ssyncadd.s32 $0xFFFFC000  }
0xac: {  	_ =	swait.ge [sflag:s11], $0x4000  }
0xad: {  	[sflag:s11] =	ssyncset.done $0x0  }
0xae: {  	[sflag:s11] =	ssyncadd.s32 $0xFFFFC000  }
0xaf: {  	_ =	swait.ge [sflag:s11], $0x4000  }
0xb0: {  	[sflag:s11] =	ssyncset.done $0x0  }
0xb1: {  	s19 =	simm.s32 $0x0;
	[sflag:s11] =	ssyncadd.s32 $0xFFFFC000  }
.LBB2_3:
0xb2: {  	v5 =	vld [tilespmem:s16+$0x0]  }
0xb3: {  	v4 =	vld [tilespmem:s17+$0x0];
	s20 =	sand.u32 $0x3800, s19;
	s21 =	sand.u32 $0x380, s15  }
0xb4: {  	v3 =	vld [tilespmem:s18+$0x0];
	s20 =	sor.u32 s21, s20  }
0xb5: {  	v6 =	vld [tilespmem:s20+$0xD80]  }
0xb6: {  	v7 =	vld [tilespmem:s20+$0x4D80]  }
0xb7: {  	v8 =	vld [tilespmem:s20+$0x8D80]  }
0xb8: {  	v9 =	vld [tilespmem:s20+$0xD90]  }
0xb9: {  	v10 =	vld [tilespmem:s20+$0x4D90]  }
0xba: {  	v11 =	vld [tilespmem:s20+$0x8D90]  }
0xbb: {  	v12 =	vld [tilespmem:s20+$0xDA0]  }
0xbc: {  	v13 =	vld [tilespmem:s20+$0x4DA0]  }
0xbd: {  	v14 =	vld [tilespmem:s20+$0x8DA0]  }
0xbe: {  	v15 =	vld [tilespmem:s20+$0xDB0]  }
0xbf: {  	v16 =	vld [tilespmem:s20+$0x4DB0]  }
0xc0: {  	v17 =	vld [tilespmem:s20+$0x8DB0]  }
0xc1: {  	v18 =	vld [tilespmem:s20+$0xDC0]  }
0xc2: {  	v19 =	vld [tilespmem:s20+$0x4DC0]  }
0xc3: {  	v20 =	vld [tilespmem:s20+$0x8DC0]  }
0xc4: {  	v21 =	vld [tilespmem:s20+$0xDD0]  }
0xc5: {  	v22 =	vld [tilespmem:s20+$0x4DD0]  }
0xc6: {  	v23 =	vld [tilespmem:s20+$0x8DD0]  }
0xc7: {  	v24 =	vld [tilespmem:s20+$0xDE0]  }
0xc8: {  	v25 =	vld [tilespmem:s20+$0x4DE0]  }
0xc9: {  	v26 =	vld [tilespmem:s20+$0x8DE0]  }
0xca: {  	v27 =	vld [tilespmem:s20+$0xDF0]  }
0xcb: {  	v28 =	vld [tilespmem:s20+$0x4DF0]  }
0xcc: {  	v29 =	vld [tilespmem:s20+$0x8DF0];
	v6 =	vmul.f32 v6, v5;
	v7 =	vmul.f32 v7, v4  }
0xcd: {  	v30 =	vld [tilespmem:s20+$0x1180];
	v8 =	vmul.f32 v8, v3;
	v9 =	vmul.f32 v9, v5  }
0xce: {  	v31 =	vld [tilespmem:s20+$0x5180];
	v10 =	vmul.f32 v10, v4;
	v11 =	vmul.f32 v11, v3  }
0xcf: {  	v32 =	vld [tilespmem:s20+$0x9180];
	v61 =	vmul.f32 v12, v5;
	v62 =	vmul.f32 v13, v4  }
0xd0: {  	v33 =	vld [tilespmem:s20+$0x1190];
	v63 =	vmul.f32 v15, v5;
	v35 =	vmul.f32 v16, v4  }
0xd1: {  	v34 =	vld [tilespmem:s20+$0x5190];
	v36 =	vmul.f32 v14, v3;
	v37 =	vmul.f32 v17, v3  }
0xd2: {  	v40 =	vld [tilespmem:s20+$0x11B0];
	v38 =	vmul.f32 v18, v5;
	v39 =	vmul.f32 v19, v4  }
0xd3: {  	v43 =	vld [tilespmem:s20+$0x51B0];
	v41 =	vmul.f32 v21, v5;
	v42 =	vmul.f32 v22, v4  }
0xd4: {  	v46 =	vld [tilespmem:s20+$0x91B0];
	v44 =	vmul.f32 v20, v3;
	v45 =	vmul.f32 v23, v3  }
0xd5: {  	v49 =	vld [tilespmem:s20+$0x11C0];
	v47 =	vmul.f32 v24, v5;
	v48 =	vmul.f32 v25, v4  }
0xd6: {  	v52 =	vld [tilespmem:s20+$0x51C0];
	v50 =	vmul.f32 v26, v3;
	v51 =	vmul.f32 v27, v5  }
0xd7: {  	v57 =	vld [tilespmem:s20+$0x11D0];
	v53 =	vmul.f32 v28, v4;
	v54 =	vmul.f32 v29, v3  }
0xd8: {  	v60 =	vld [tilespmem:s20+$0x51D0];
	v55 =	vmul.f32 v30, v5;
	v56 =	vmul.f32 v31, v4;
	v6 =	vadd.f32 v7, v6  }
0xd9: {  	v13 =	vld [tilespmem:s20+$0x9190];
	v58 =	vmul.f32 v33, v5;
	v9 =	vadd.f32 v10, v9;
	v7 =	vadd.f32 v62, v61  }
0xda: {  	v16 =	vld [tilespmem:s20+$0x11A0];
	v59 =	vmul.f32 v34, v4;
	v10 =	vadd.f32 v35, v63;
	v18 =	vadd.f32 v48, v47  }
0xdb: {  	v12 =	vld [tilespmem:s20+$0x51A0];
	v20 =	vadd.f32 v53, v51;
	v62 =	vadd.f32 v56, v55;
	v63 =	vmul.f32 v32, v3  }
0xdc: {  	v14 =	vld [tilespmem:s20+$0x91A0];
	v33 =	vadd.f32 v59, v58;
	v47 =	vmul.f32 v49, v5;
	v6 =	vadd.f32 v8, v6  }
0xdd: {  	v27 =	vld [tilespmem:s20+$0x91C0];
	v48 =	vmul.f32 v52, v4;
	v9 =	vadd.f32 v11, v9;
	v7 =	vadd.f32 v36, v7  }
0xde: {  	v34 =	vld [tilespmem:s20+$0x11E0];
	v51 =	vmul.f32 v57, v5;
	v10 =	vadd.f32 v37, v10;
	v8 =	vadd.f32 v39, v38;
	[tilespmem:s20+$0xCD80] =	vst v6  }
0xdf: {  	v28 =	vld [tilespmem:s20+$0x91D0];
	v55 =	vmul.f32 v60, v4;
	v11 =	vadd.f32 v42, v41;
	v61 =	vadd.f32 v50, v18;
	[tilespmem:s20+$0xCD90] =	vst v9  }
0xe0: {  	v32 =	vadd.f32 v54, v20;
	v35 =	vadd.f32 v63, v62;
	v37 =	vld [tilespmem:s20+$0x11F0];
	v39 =	vmul.f32 v40, v5;
	[tilespmem:s20+$0xCDA0] =	vst v7  }
0xe1: {  	v40 =	vmul.f32 v43, v4;
	v41 =	vld [tilespmem:s20+$0x51E0];
	v56 =	vadd.f32 v48, v47;
	v13 =	vmul.f32 v13, v3;
	[tilespmem:s20+$0xCDB0] =	vst v10  }
0xe2: {  	v36 =	vmul.f32 v16, v5;
	v12 =	vmul.f32 v12, v4;
	v11 =	vadd.f32 v45, v11;
	v45 =	vld [tilespmem:s20+$0x51F0];
	[tilespmem:s20+$0xCDE0] =	vst v61  }
0xe3: {  	v49 =	vld [tilespmem:s20+$0x91E0];
	v43 =	vmul.f32 v14, v3;
	v52 =	vmul.f32 v34, v5;
	v8 =	vadd.f32 v44, v8;
	[tilespmem:s20+$0xCDF0] =	vst v32  }
0xe4: {  	v53 =	vld [tilespmem:s20+$0x91F0];
	v57 =	vmul.f32 v27, v3;
	v44 =	vmul.f32 v46, v3;
	v46 =	vadd.f32 v40, v39;
	[tilespmem:s20+$0xD180] =	vst v35  }
0xe5: {  	v59 =	vmul.f32 v28, v3;
	v38 =	vadd.f32 v13, v33;
	v42 =	vadd.f32 v12, v36;
	[tilespmem:s20+$0xCDC0] =	vst v8  }
0xe6: {  	v60 =	vadd.f32 v57, v56;
	[tilespmem:s20+$0xCDD0] =	vst v11;
	v54 =	vadd.f32 v44, v46;
	v58 =	vmul.f32 v41, v4  }
0xe7: {  	v8 =	vadd.f32 v55, v51;
	v5 =	vmul.f32 v37, v5;
	[tilespmem:s20+$0xD190] =	vst v38;
	v4 =	vmul.f32 v45, v4  }
0xe8: {  	p0 =	sne.s32 s19, $0x3F00;
	v62 =	vmul.f32 v49, v3;
	v50 =	vadd.f32 v43, v42;
	[tilespmem:s20+$0xD1C0] =	vst v60;
	v61 =	vadd.f32 v58, v52  }
.Ltmp0:
0xe9: {  	v3 =	vmul.f32 v53, v3;
	[tilespmem:s20+$0xD1B0] =	vst v54;
	v8 =	vadd.f32 v59, v8;
	v4 =	vadd.f32 v4, v5;
	(pc) =	sbr.rel @p0 .LBB2_3-.Ltmp0, $4  }
0xea: {  	[tilespmem:s20+$0xD1A0] =	vst v50;
	v63 =	vadd.f32 v62, v61  }
0xeb: {  	[tilespmem:s20+$0xD1D0] =	vst v8;
	v3 =	vadd.f32 v3, v4  }
0xec: {  	s15 =	sadd.s32 $0x80, s15;
	s16 =	sadd.s32 $0x10, s16;
	[tilespmem:s20+$0xD1E0] =	vst v63  }
0xed: {  	s17 =	sadd.s32 $0x10, s17;
	s18 =	sadd.s32 $0x10, s18;
	s19 =	sadd.s32 $0x100, s19;
	[tilespmem:s20+$0xD1F0] =	vst v3  }
0xee: {  	s13 =	sadd.s32 $0x1, s13  }
0xef: {  	s14 =	sshll.u32 s14, $0x5;
	p0 =	sne.s32 s13, $0x10  }
.Ltmp1:
0xf0: {  	s15 =	simm.s32 $0x0;
	s14 =	sadd.s32 s6, s14;
	(pc) =	sbr.rel @p0 .LBB2_2-.Ltmp1, $4  }
0xf1: {  	[hbm4b:s14+s15] =	stream.linear.scatter [tilespmem:s12], [sflag:$0x2], $0x4000, $0x38;
	[tilespmem:$0x10D80] =	vst v63  }
0xf2: {  	_ =	swait.ge [sflag:s9], $0x4000  }
0xf3: {  	[sflag:s9] =	ssyncset.done $0x0  }
0xf4: {  	[sflag:s9] =	ssyncadd.s32 $0xFFFFC000  }
0xf5: {  	s14 =	rddreg [dreg:$0x5]  }
0xf6: {  	s13 =	rddreg [dreg:$0x4];
	s14 =	sadd.s32 $0x1, s14  }
0xf7: {  	p0 =	sne.s32 s14, s13  }
.Ltmp2:
0xf8: {  	_ = 	snop;
	(pc) =	sbr.rel @p0 .LBB2_1-.Ltmp2, $1  }
0xf9: {  	_ =	sdelay $0x3  }
0xfa: {  	_ =	sfence.sel $0x180000  }
0xfb: {  	[bflag:$0x0] =	sbarrier.arrive $0xFFFF  }
0xfc: {  	_ =	strace $0x90000047  }
0xfd: {  	s0 =	stileid.u32;
	[bflag:$0x2] =	sbarrier.arrive $0xFFFF  }
0xfe: {  	p0 =	sne.s32 s0, $0x0;
	s0 =	rddreg [dreg:$0x3]  }
0xff: {  	s0 =	sadd.s32 @!p0 $0x100000, s0  }
0x100: {  	[sflag:s0] =	ssyncadd.tile.s32 @!p0 $0x1;
	_ =	shalt  }
.Lfunc_end2:
_tile_overlayer_lowered:
.L_overlay_start_2:
0x101: {  	(tag) =	ssettag $0x2  }
0x102: {  	s0 =	rddreg [dreg:$0x0];
	s2 =	stileid.u32  }
0x103: {  	s1 =	rddreg [dreg:$0x1];
	p0 =	sne.s32 s2, $0x0  }
0x104: {  	s3 =	rddreg [dreg:$0x2];
	[bflag:$0x3] =	sbarrier.arrive $0xFFFF;
	s2 =	simm.s32 @!p0 $0x1C02  }
0x105: {  	[timem:s3], [sflag:s2] =	dma.local @!p0 [hbm:s0], s1  }
0x106: {  	s0 =	simm.s32 @!p0 $0x2  }
0x107: {  	_ =	swait.ge @!p0 [sflag:s0], s1  }
0x108: {  	s1 =	ssub.s32 @!p0 $0x0, s1;
	[sflag:s0] =	ssyncset.done @!p0 $0x0  }
0x109: {  	[sflag:s0] =	ssyncadd.s32 @!p0 s1  }
0x10a: {  	[bflag:$0x3] =	sbarrier.arrive $0xFFFF  }
0x10b: {  	_ =	shalt  }

</sc_bundles>
